<compile_context>
chip_gen: v7x
topology: tpu7x:2x2x1
jax: 0.10.2.dev20260603
libtpu: 0.0.44.dev20260713+nightly
codegen_flags: <defaults>
</compile_context>

<pallas_src>
import functools

import jax
import jax.numpy as jnp
from jax import lax
from jax.experimental import pallas as pl
from jax.experimental.pallas import tpu as pltpu
from jax.experimental.pallas import tpu_sc as plsc

_R = 2
_L = 16
_W = 128
_UNROLL = 1


def _take(v, idx):
    return v.at[idx].get(mode="promise_in_bounds")


@functools.lru_cache(maxsize=None)
def _build(B, S, K, E, D):
    LE = E // D
    NC, NS = 2, 16
    NW = NC * NS
    H = NW // (D * B)
    NBLK = S // _W
    CBLK = NBLK // H
    RBLK = CBLK // _R
    mesh = plsc.VectorSubcoreMesh(core_axis_name="c", subcore_axis_name="s")

    @functools.partial(
        pl.kernel,
        out_type=(
            jax.ShapeDtypeStruct((D * B, NBLK * LE, _W), jnp.float32),
            jax.ShapeDtypeStruct((D * B, NBLK * LE // _R, _W), jnp.float32),
        ),
        mesh=mesh,
        compiler_params=pltpu.CompilerParams(needs_layout_passes=False),
        scratch_types=(
            pltpu.VMEM((CBLK * K, _W), jnp.float32),
            pltpu.VMEM((CBLK * K, _W), jnp.int32),
            pltpu.VMEM((E,), jnp.int32),
            pltpu.VMEM((CBLK * LE, _W), jnp.float32),
            pltpu.VMEM((RBLK * LE, _W), jnp.float32),
            pltpu.SemaphoreType.DMA,
            pltpu.SemaphoreType.DMA,
        ),
    )
    def launch(topk_hbm, meta_hbm, le_hbm, out_hbm, red_hbm,
               w_v, m_v, le_v, out_v, red_v, in_sem, out_sem):
        wid = lax.axis_index("s") * NC + lax.axis_index("c")
        d = wid // (B * H)
        b = (wid // H) % B
        h = wid % H

        cp_le = pltpu.make_async_copy(le_hbm, le_v, in_sem)
        cp_w = pltpu.make_async_copy(
            topk_hbm.at[b, pl.ds(h * CBLK * K, CBLK * K), :], w_v, in_sem)
        cp_m = pltpu.make_async_copy(
            meta_hbm.at[b, pl.ds(h * CBLK * K, CBLK * K), :], m_v, in_sem)
        cp_le.start()
        cp_w.start()
        cp_m.start()
        cp_le.wait()

        iota = lax.broadcasted_iota(jnp.int32, (_L,), 0)
        evs = [
            plsc.load_gather(le_v, [jnp.broadcast_to(d * LE + j, (_L,))])
            for j in range(LE)
        ]
        zero = jnp.zeros((_L,), jnp.float32)
        idx_e = (2 * iota) & (_L - 1)
        lo = iota < (_L // 2)
        swp = iota ^ 1

        cp_w.wait()
        cp_m.wait()

        def body(g, carry):
            for bu in range(_UNROLL):
                blk = g * _UNROLL + bu
                ms = [[m_v[blk * K + k, pl.ds(u * _L, _L)]
                       for u in range(_W // _L)] for k in range(K)]
                ws = [[w_v[blk * K + k, pl.ds(u * _L, _L)]
                       for u in range(_W // _L)] for k in range(K)]
                for j in range(LE):
                    os_ = []
                    for u in range(_W // _L):
                        o = zero
                        for k in range(K):
                            o = o + jnp.where(ms[k][u] == evs[j], ws[k][u], zero)
                        out_v[blk * LE + j, pl.ds(u * _L, _L)] = o
                        os_.append(o)
                    rrow = (blk // _R) * LE + j
                    rcol = (blk % _R) * (_W // _R)
                    for t in range(_W // _L // _R):
                        ma = jnp.maximum(os_[2 * t], _take(os_[2 * t], swp))
                        mc = jnp.maximum(os_[2 * t + 1],
                                         _take(os_[2 * t + 1], swp))
                        red_v[rrow, pl.ds(rcol + t * _L, _L)] = jnp.where(
                            lo, _take(ma, idx_e), _take(mc, idx_e))
            return carry

        lax.fori_loop(0, CBLK // _UNROLL, body, 0)

        cp_out = pltpu.make_async_copy(
            out_v, out_hbm.at[d * B + b, pl.ds(h * CBLK * LE, CBLK * LE), :],
            out_sem)
        cp_red = pltpu.make_async_copy(
            red_v, red_hbm.at[d * B + b, pl.ds(h * RBLK * LE, RBLK * LE), :],
            out_sem)
        cp_out.start()
        cp_red.start()
        cp_out.wait()
        cp_red.wait()

    return launch


def kernel(topk_tensor, expert_mapping, expert_metadata):
    _, B, S, K = topk_tensor.shape
    E, D = expert_mapping.shape[2], expert_mapping.shape[3]
    LE = E // D
    NBLK = S // _W

    def to_lanes(x):
        return (x.reshape(B, NBLK, _W, K)
                 .transpose(0, 1, 3, 2)
                 .reshape(B, NBLK * K, _W))

    mapping = expert_mapping.reshape(E, D)
    dev = jnp.argmax(mapping, axis=1).astype(jnp.int32)
    same = (dev[:, None] == dev[None, :]).astype(jnp.int32)
    tril = (jnp.arange(E)[:, None] > jnp.arange(E)[None, :]).astype(jnp.int32)
    rank = jnp.sum(same * tril, axis=1, dtype=jnp.int32)
    pos = dev * LE + rank
    le = jnp.sum(
        jnp.where(pos[:, None] == jnp.arange(E)[None, :],
                  jnp.arange(E, dtype=jnp.int32)[:, None], 0),
        axis=0, dtype=jnp.int32)

    launch = _build(B, S, K, E, D)
    out3, red3 = launch(
        to_lanes(topk_tensor),
        to_lanes(expert_metadata),
        le,
    )
    out = (out3.reshape(D, B, NBLK, LE, _W)
               .transpose(0, 1, 2, 4, 3)
               .reshape(D, B, S, LE))
    red = (red3.reshape(D, B, NBLK // _R, LE, _W)
               .transpose(0, 1, 2, 4, 3)
               .reshape(D, B, S // _R, LE))
    return out, red

# --- scband reference (transcript-rebuilt; emitter-appended) ---
"""Pipeline reference for scband-moe-expert-token-remap-15822659519278 (READ-ONLY COPY).

The authoritative reference and input builder live on the scoring server;
editing this copy changes nothing except your own understanding.
"""

import jax, jax.numpy as jnp
import numpy as np

REDUCTION_SIZE = 2


def setup_inputs(seed: int = 0) -> dict:
    key = jax.random.key(seed)
    k1, k2 = jax.random.split(key)
    B, S, K, E, D = 2, 4096, 2, 16, 8
    # topk weights per token (output of softmax+topk over router logits)
    topk_tensor = jax.random.uniform(k1, (1, B, S, K), dtype=jnp.float32)
    # selected global expert indices per token
    expert_metadata = jax.random.randint(k2, (1, B, S, K), 0, E, dtype=jnp.int32)
    # one-hot expert->device mapping: expert e lives on device e // (E // D)
    mapping = jnp.zeros((E, D), dtype=jnp.int32)
    mapping = mapping.at[jnp.arange(E), jnp.arange(E) // (E // D)].set(1)
    expert_mapping = mapping.reshape(1, 1, E, D)
    return {
        "topk_tensor": topk_tensor,
        "expert_mapping": expert_mapping,
        "expert_metadata": expert_metadata,
    }


def reference(topk_tensor, expert_mapping, expert_metadata):
    # Faithful translation of tt.moe_expert_token_remap semantics (as implemented
    # in tt-metal experimental CCL): given per-token top-k expert scores and the
    # global expert indices they correspond to, plus a one-hot expert->device
    # mapping, produce for every device a dense [tokens, local_experts] score
    # tensor (zero where the token did not select a local expert), together with
    # a reduced activation tensor where the token dim is reduced (max) in blocks
    # of reduction_size.
    _, B, S, K = topk_tensor.shape
    E, D = expert_mapping.shape[2], expert_mapping.shape[3]
    LE = E // D
    R = REDUCTION_SIZE
    mapping = expert_mapping.reshape(E, D)
    # scatter topk scores into dense per-expert score tensor [B, S, E]
    onehot = jax.nn.one_hot(expert_metadata[0], E, dtype=topk_tensor.dtype)  # [B,S,K,E]
    dense = jnp.einsum("bsk,bske->bse", topk_tensor[0], onehot)  # [B,S,E]
    # local expert -> global expert index table per device (stable argsort puts
    # mapped experts first, in ascending global-index order)
    local_experts = jnp.argsort(-mapping.T, axis=1)[:, :LE]  # [D, LE]
    out = dense[:, :, local_experts]  # [B,S,D,LE] gather
    out = jnp.transpose(out, (2, 0, 1, 3))  # [D,B,S,LE]
    reduced = out.reshape(D, B, S // R, R, LE).max(axis=3)  # [D,B,S//R,LE]
    return out, reduced

if __name__ == "__main__":
    import jax
    _d = setup_inputs()
    print(jax.jit(kernel)(*tuple(_d.values())))

</pallas_src>

<mosaic_0001>
#map = affine_map<(d0, d1) -> (0, 0, 0)>
#map1 = affine_map<(d0, d1) -> (0)>
module attributes {stable_mosaic.version = 14 : i64} {
  func.func @launch(%arg0: i32, %arg1: i32, %arg2: memref<2x64x128xf32, #tpu.memory_space<hbm>>, %arg3: memref<2x64x128xi32, #tpu.memory_space<hbm>>, %arg4: memref<16xi32, #tpu.memory_space<hbm>>, %arg5: memref<16x64x128xf32, #tpu.memory_space<hbm>>, %arg6: memref<16x32x128xf32, #tpu.memory_space<hbm>>, %arg7: memref<32x128xf32, #tpu.memory_space<vmem>>, %arg8: memref<32x128xi32, #tpu.memory_space<vmem>>, %arg9: memref<16xi32, #tpu.memory_space<vmem>>, %arg10: memref<32x128xf32, #tpu.memory_space<vmem>>, %arg11: memref<16x128xf32, #tpu.memory_space<vmem>>, %arg12: memref<!tpu.dma_semaphore, #tpu.memory_space<semaphore_mem>>, %arg13: memref<!tpu.dma_semaphore, #tpu.memory_space<semaphore_mem>>) attributes {dimension_semantics = [#tpu.dimension_semantics<core_parallel>, #tpu.dimension_semantics<subcore_parallel>], iteration_bounds = array<i64: 2, 16>, scalar_prefetch = 0 : i64, scratch_operands = 7 : i64, tpu.core_type = #tpu.core_type<sc_vector_subcore>, window_params = [{transform_indices = #map}, {transform_indices = #map}, {transform_indices = #map1}, {transform_indices = #map}, {transform_indices = #map}]} {
    %mul3A = arith.constant 2 : i32
    %mul3A_0 = arith.muli %arg1, %mul3A : i32
    %add3A = arith.addi %mul3A_0, %arg0 : i32
    %jit3A = arith.constant 4 : i32
    %div3A = arith.divsi %add3A, %jit3A : i32
    %sign3A = arith.constant 0 : i32
    %sign3A_1 = arith.cmpi sgt, %add3A, %sign3A : i32
    %sign3A_2 = arith.extui %sign3A_1 : i1 to i32
    %sign3A_3 = arith.constant 0 : i32
    %sign3A_4 = arith.cmpi slt, %add3A, %sign3A_3 : i32
    %sign3A_5 = arith.extui %sign3A_4 : i1 to i32
    %sign3A_6 = arith.subi %sign3A_2, %sign3A_5 : i32
    %sign3A_7 = arith.constant 0 : i32
    %sign3A_8 = arith.cmpi sgt, %jit3A, %sign3A_7 : i32
    %sign3A_9 = arith.extui %sign3A_8 : i1 to i32
    %sign3A_10 = arith.constant 0 : i32
    %sign3A_11 = arith.cmpi slt, %jit3A, %sign3A_10 : i32
    %sign3A_12 = arith.extui %sign3A_11 : i1 to i32
    %sign3A_13 = arith.subi %sign3A_9, %sign3A_12 : i32
    %ne3A = arith.cmpi ne, %sign3A_6, %sign3A_13 : i32
    %rem3A = arith.remsi %add3A, %jit3A : i32
    %ne3A_14 = arith.constant 0 : i32
    %ne3A_15 = arith.cmpi ne, %rem3A, %ne3A_14 : i32
    %and3A = arith.andi %ne3A, %ne3A_15 : i1
    %sub3A = arith.constant 1 : i32
    %sub3A_16 = arith.subi %div3A, %sub3A : i32
    %select_n3A = arith.select %and3A, %sub3A_16, %div3A : i32
    %jit3A_17 = arith.constant 2 : i32
    %div3A_18 = arith.divsi %add3A, %jit3A_17 : i32
    %sign3A_19 = arith.constant 0 : i32
    %sign3A_20 = arith.cmpi sgt, %add3A, %sign3A_19 : i32
    %sign3A_21 = arith.extui %sign3A_20 : i1 to i32
    %sign3A_22 = arith.constant 0 : i32
    %sign3A_23 = arith.cmpi slt, %add3A, %sign3A_22 : i32
    %sign3A_24 = arith.extui %sign3A_23 : i1 to i32
    %sign3A_25 = arith.subi %sign3A_21, %sign3A_24 : i32
    %sign3A_26 = arith.constant 0 : i32
    %sign3A_27 = arith.cmpi sgt, %jit3A_17, %sign3A_26 : i32
    %sign3A_28 = arith.extui %sign3A_27 : i1 to i32
    %sign3A_29 = arith.constant 0 : i32
    %sign3A_30 = arith.cmpi slt, %jit3A_17, %sign3A_29 : i32
    %sign3A_31 = arith.extui %sign3A_30 : i1 to i32
    %sign3A_32 = arith.subi %sign3A_28, %sign3A_31 : i32
    %ne3A_33 = arith.cmpi ne, %sign3A_25, %sign3A_32 : i32
    %rem3A_34 = arith.remsi %add3A, %jit3A_17 : i32
    %ne3A_35 = arith.constant 0 : i32
    %ne3A_36 = arith.cmpi ne, %rem3A_34, %ne3A_35 : i32
    %and3A_37 = arith.andi %ne3A_33, %ne3A_36 : i1
    %sub3A_38 = arith.constant 1 : i32
    %sub3A_39 = arith.subi %div3A_18, %sub3A_38 : i32
    %select_n3A_40 = arith.select %and3A_37, %sub3A_39, %div3A_18 : i32
    %jit3A_41 = arith.constant 2 : i32
    %eq3A = arith.constant 0 : i32
    %eq3A_42 = arith.cmpi eq, %jit3A_41, %eq3A : i32
    %jit3A_43 = arith.constant 1 : i32
    %select_n3A_44 = arith.select %eq3A_42, %jit3A_43, %jit3A_41 : i32
    %rem3A_45 = arith.remsi %select_n3A_40, %select_n3A_44 : i32
    %ne3A_46 = arith.constant 0 : i32
    %ne3A_47 = arith.cmpi ne, %rem3A_45, %ne3A_46 : i32
    %lt3A = arith.constant 0 : i32
    %lt3A_48 = arith.cmpi slt, %rem3A_45, %lt3A : i32
    %lt3A_49 = arith.constant 0 : i32
    %lt3A_50 = arith.cmpi slt, %select_n3A_44, %lt3A_49 : i32
    %ne3A_51 = arith.xori %lt3A_48, %lt3A_50 : i1
    %and3A_52 = arith.andi %ne3A_51, %ne3A_47 : i1
    %add3A_53 = arith.addi %rem3A_45, %select_n3A_44 : i32
    %select_n3A_54 = arith.select %and3A_52, %add3A_53, %rem3A_45 : i32
    %jit3A_55 = arith.constant 2 : i32
    %eq3A_56 = arith.constant 0 : i32
    %eq3A_57 = arith.cmpi eq, %jit3A_55, %eq3A_56 : i32
    %jit3A_58 = arith.constant 1 : i32
    %select_n3A_59 = arith.select %eq3A_57, %jit3A_58, %jit3A_55 : i32
    %rem3A_60 = arith.remsi %add3A, %select_n3A_59 : i32
    %ne3A_61 = arith.constant 0 : i32
    %ne3A_62 = arith.cmpi ne, %rem3A_60, %ne3A_61 : i32
    %lt3A_63 = arith.constant 0 : i32
    %lt3A_64 = arith.cmpi slt, %rem3A_60, %lt3A_63 : i32
    %lt3A_65 = arith.constant 0 : i32
    %lt3A_66 = arith.cmpi slt, %select_n3A_59, %lt3A_65 : i32
    %ne3A_67 = arith.xori %lt3A_64, %lt3A_66 : i1
    %and3A_68 = arith.andi %ne3A_67, %ne3A_62 : i1
    %add3A_69 = arith.addi %rem3A_60, %select_n3A_59 : i32
    %select_n3A_70 = arith.select %and3A_68, %add3A_69, %rem3A_60 : i32
    %mul3A_71 = arith.constant 16 : i32
    %mul3A_72 = arith.muli %select_n3A_70, %mul3A_71 : i32
    %mul3A_73 = arith.constant 2 : i32
    %mul3A_74 = arith.muli %mul3A_72, %mul3A_73 : i32
    %mul3A_75 = arith.constant 16 : i32
    %mul3A_76 = arith.muli %select_n3A_70, %mul3A_75 : i32
    %mul3A_77 = arith.constant 2 : i32
    %mul3A_78 = arith.muli %mul3A_76, %mul3A_77 : i32
    tpu.enqueue_dma source(%arg4 : memref<16xi32, #tpu.memory_space<hbm>>) target(%arg9 : memref<16xi32, #tpu.memory_space<vmem>>) target_semaphore(%arg12 : memref<!tpu.dma_semaphore, #tpu.memory_space<semaphore_mem>>)
    %dma_start3A = arith.constant 0 : i32
    %dma_start3A_79 = tpu.memref_slice %arg2[%select_n3A_54, %mul3A_74, %dma_start3A] : memref<2x64x128xf32, #tpu.memory_space<hbm>> -> memref<1x32x128xf32, #tpu.memory_space<hbm>>
    %dma_start3A_80 = tpu.memref_squeeze %dma_start3A_79 : memref<1x32x128xf32, #tpu.memory_space<hbm>> -> memref<32x128xf32, #tpu.memory_space<hbm>>
    %dma_start3A_81 = arith.constant 0 : i32
    %dma_start3A_82 = tpu.memref_slice %arg2[%select_n3A_54, %mul3A_74, %dma_start3A_81] : memref<2x64x128xf32, #tpu.memory_space<hbm>> -> memref<1x32x128xf32, #tpu.memory_space<hbm>>
    %dma_start3A_83 = tpu.memref_squeeze %dma_start3A_82 : memref<1x32x128xf32, #tpu.memory_space<hbm>> -> memref<32x128xf32, #tpu.memory_space<hbm>>
    tpu.enqueue_dma source(%dma_start3A_83 : memref<32x128xf32, #tpu.memory_space<hbm>>) target(%arg7 : memref<32x128xf32, #tpu.memory_space<vmem>>) target_semaphore(%arg12 : memref<!tpu.dma_semaphore, #tpu.memory_space<semaphore_mem>>)
    %dma_start3A_84 = arith.constant 0 : i32
    %dma_start3A_85 = tpu.memref_slice %arg3[%select_n3A_54, %mul3A_78, %dma_start3A_84] : memref<2x64x128xi32, #tpu.memory_space<hbm>> -> memref<1x32x128xi32, #tpu.memory_space<hbm>>
    %dma_start3A_86 = tpu.memref_squeeze %dma_start3A_85 : memref<1x32x128xi32, #tpu.memory_space<hbm>> -> memref<32x128xi32, #tpu.memory_space<hbm>>
    %dma_start3A_87 = arith.constant 0 : i32
    %dma_start3A_88 = tpu.memref_slice %arg3[%select_n3A_54, %mul3A_78, %dma_start3A_87] : memref<2x64x128xi32, #tpu.memory_space<hbm>> -> memref<1x32x128xi32, #tpu.memory_space<hbm>>
    %dma_start3A_89 = tpu.memref_squeeze %dma_start3A_88 : memref<1x32x128xi32, #tpu.memory_space<hbm>> -> memref<32x128xi32, #tpu.memory_space<hbm>>
    tpu.enqueue_dma source(%dma_start3A_89 : memref<32x128xi32, #tpu.memory_space<hbm>>) target(%arg8 : memref<32x128xi32, #tpu.memory_space<vmem>>) target_semaphore(%arg12 : memref<!tpu.dma_semaphore, #tpu.memory_space<semaphore_mem>>)
    tpu.wait_dma2 semaphore(%arg12 : memref<!tpu.dma_semaphore, #tpu.memory_space<semaphore_mem>>) src(%arg4 : memref<16xi32, #tpu.memory_space<hbm>>) dst(%arg9 : memref<16xi32, #tpu.memory_space<vmem>>)
    %iota3A = tpu.iota {dimensions = array<i32: 0>} : vector<16xi32>
    %mul3A_90 = arith.constant 2 : i32
    %mul3A_91 = arith.muli %select_n3A, %mul3A_90 : i32
    %add3A_92 = arith.constant 0 : i32
    %add3A_93 = arith.addi %mul3A_91, %add3A_92 : i32
    %broadcast_in_dim3A = vector.broadcast %add3A_93 : i32 to vector<16xi32>
    %gather3A = tpu.vector_load_idx %arg9[%broadcast_in_dim3A] : memref<16xi32, #tpu.memory_space<vmem>>[vector<16xi32>], vector<16xi32>,
    %mul3A_94 = arith.constant 2 : i32
    %mul3A_95 = arith.muli %select_n3A, %mul3A_94 : i32
    %add3A_96 = arith.constant 1 : i32
    %add3A_97 = arith.addi %mul3A_95, %add3A_96 : i32
    %broadcast_in_dim3A_98 = vector.broadcast %add3A_97 : i32 to vector<16xi32>
    %gather3A_99 = tpu.vector_load_idx %arg9[%broadcast_in_dim3A_98] : memref<16xi32, #tpu.memory_space<vmem>>[vector<16xi32>], vector<16xi32>,
    %broadcast_in_dim3A_100 = arith.constant 0.000000e+00 : f32
    %broadcast_in_dim3A_101 = vector.broadcast %broadcast_in_dim3A_100 : f32 to vector<16xf32>
    %mul3A_102 = arith.constant 2 : i32
    %mul3A_103 = vector.broadcast %mul3A_102 : i32 to vector<16xi32>
    %mul3A_104 = arith.muli %mul3A_103, %iota3A : vector<16xi32>
    %and3A_105 = arith.constant 15 : i32
    %and3A_106 = vector.broadcast %and3A_105 : i32 to vector<16xi32>
    %and3A_107 = arith.andi %mul3A_104, %and3A_106 : vector<16xi32>
    %lt3A_108 = arith.constant 8 : i32
    %lt3A_109 = vector.broadcast %lt3A_108 : i32 to vector<16xi32>
    %lt3A_110 = arith.cmpi slt, %iota3A, %lt3A_109 : vector<16xi32>
    %xor3A = arith.constant 1 : i32
    %xor3A_111 = vector.broadcast %xor3A : i32 to vector<16xi32>
    %xor3A_112 = arith.xori %iota3A, %xor3A_111 : vector<16xi32>
    %dma_wait3A = arith.constant 0 : i32
    %dma_wait3A_113 = tpu.memref_slice %arg2[%select_n3A_54, %mul3A_74, %dma_wait3A] : memref<2x64x128xf32, #tpu.memory_space<hbm>> -> memref<1x32x128xf32, #tpu.memory_space<hbm>>
    %dma_wait3A_114 = tpu.memref_squeeze %dma_wait3A_113 : memref<1x32x128xf32, #tpu.memory_space<hbm>> -> memref<32x128xf32, #tpu.memory_space<hbm>>
    %dma_wait3A_115 = arith.constant 0 : i32
    %dma_wait3A_116 = tpu.memref_slice %arg2[%select_n3A_54, %mul3A_74, %dma_wait3A_115] : memref<2x64x128xf32, #tpu.memory_space<hbm>> -> memref<1x32x128xf32, #tpu.memory_space<hbm>>
    %dma_wait3A_117 = tpu.memref_squeeze %dma_wait3A_116 : memref<1x32x128xf32, #tpu.memory_space<hbm>> -> memref<32x128xf32, #tpu.memory_space<hbm>>
    tpu.wait_dma2 semaphore(%arg12 : memref<!tpu.dma_semaphore, #tpu.memory_space<semaphore_mem>>) src(%dma_wait3A_117 : memref<32x128xf32, #tpu.memory_space<hbm>>) dst(%arg7 : memref<32x128xf32, #tpu.memory_space<vmem>>)
    %dma_wait3A_118 = arith.constant 0 : i32
    %dma_wait3A_119 = tpu.memref_slice %arg3[%select_n3A_54, %mul3A_78, %dma_wait3A_118] : memref<2x64x128xi32, #tpu.memory_space<hbm>> -> memref<1x32x128xi32, #tpu.memory_space<hbm>>
    %dma_wait3A_120 = tpu.memref_squeeze %dma_wait3A_119 : memref<1x32x128xi32, #tpu.memory_space<hbm>> -> memref<32x128xi32, #tpu.memory_space<hbm>>
    %dma_wait3A_121 = arith.constant 0 : i32
    %dma_wait3A_122 = tpu.memref_slice %arg3[%select_n3A_54, %mul3A_78, %dma_wait3A_121] : memref<2x64x128xi32, #tpu.memory_space<hbm>> -> memref<1x32x128xi32, #tpu.memory_space<hbm>>
    %dma_wait3A_123 = tpu.memref_squeeze %dma_wait3A_122 : memref<1x32x128xi32, #tpu.memory_space<hbm>> -> memref<32x128xi32, #tpu.memory_space<hbm>>
    tpu.wait_dma2 semaphore(%arg12 : memref<!tpu.dma_semaphore, #tpu.memory_space<semaphore_mem>>) src(%dma_wait3A_123 : memref<32x128xi32, #tpu.memory_space<hbm>>) dst(%arg8 : memref<32x128xi32, #tpu.memory_space<vmem>>)
    %scan3A = arith.constant 0 : i32
    %scan3A_124 = arith.constant 0 : i32
    %scan3A_125 = arith.constant 16 : i32
    %scan3A_126 = arith.addi %scan3A_124, %scan3A_125 : i32
    %scan3A_127 = arith.constant 1 : i32
    scf.for %scan3A_167 = %scan3A_124 to %scan3A_126 step %scan3A_127  : i32 {
      %mul3A_168 = arith.constant 1 : i32
      %mul3A_169 = arith.muli %scan3A_167, %mul3A_168 : i32
      %add3A_170 = arith.constant 0 : i32
      %add3A_171 = arith.addi %mul3A_169, %add3A_170 : i32
      %mul3A_172 = arith.constant 2 : i32
      %mul3A_173 = arith.muli %add3A_171, %mul3A_172 : i32
      %add3A_174 = arith.constant 0 : i32
      %add3A_175 = arith.addi %mul3A_173, %add3A_174 : i32
      %get3A = arith.index_cast %add3A_175 : i32 to index
      %get3A_176 = arith.constant 0 : index
      %get3A_177 = tpu.vector_load %arg8[%get3A, %get3A_176] {strides = array<i32>} : memref<32x128xi32, #tpu.memory_space<vmem>>, vector<16xi32>,
      %mul3A_178 = arith.constant 2 : i32
      %mul3A_179 = arith.muli %add3A_171, %mul3A_178 : i32
      %add3A_180 = arith.constant 0 : i32
      %add3A_181 = arith.addi %mul3A_179, %add3A_180 : i32
      %get3A_182 = arith.index_cast %add3A_181 : i32 to index
      %get3A_183 = arith.constant 16 : index
      %get3A_184 = tpu.vector_load %arg8[%get3A_182, %get3A_183] {strides = array<i32>} : memref<32x128xi32, #tpu.memory_space<vmem>>, vector<16xi32>,
      %mul3A_185 = arith.constant 2 : i32
      %mul3A_186 = arith.muli %add3A_171, %mul3A_185 : i32
      %add3A_187 = arith.constant 0 : i32
      %add3A_188 = arith.addi %mul3A_186, %add3A_187 : i32
      %get3A_189 = arith.index_cast %add3A_188 : i32 to index
      %get3A_190 = arith.constant 32 : index
      %get3A_191 = tpu.vector_load %arg8[%get3A_189, %get3A_190] {strides = array<i32>} : memref<32x128xi32, #tpu.memory_space<vmem>>, vector<16xi32>,
      %mul3A_192 = arith.constant 2 : i32
      %mul3A_193 = arith.muli %add3A_171, %mul3A_192 : i32
      %add3A_194 = arith.constant 0 : i32
      %add3A_195 = arith.addi %mul3A_193, %add3A_194 : i32
      %get3A_196 = arith.index_cast %add3A_195 : i32 to index
      %get3A_197 = arith.constant 48 : index
      %get3A_198 = tpu.vector_load %arg8[%get3A_196, %get3A_197] {strides = array<i32>} : memref<32x128xi32, #tpu.memory_space<vmem>>, vector<16xi32>,
      %mul3A_199 = arith.constant 2 : i32
      %mul3A_200 = arith.muli %add3A_171, %mul3A_199 : i32
      %add3A_201 = arith.constant 0 : i32
      %add3A_202 = arith.addi %mul3A_200, %add3A_201 : i32
      %get3A_203 = arith.index_cast %add3A_202 : i32 to index
      %get3A_204 = arith.constant 64 : index
      %get3A_205 = tpu.vector_load %arg8[%get3A_203, %get3A_204] {strides = array<i32>} : memref<32x128xi32, #tpu.memory_space<vmem>>, vector<16xi32>,
      %mul3A_206 = arith.constant 2 : i32
      %mul3A_207 = arith.muli %add3A_171, %mul3A_206 : i32
      %add3A_208 = arith.constant 0 : i32
      %add3A_209 = arith.addi %mul3A_207, %add3A_208 : i32
      %get3A_210 = arith.index_cast %add3A_209 : i32 to index
      %get3A_211 = arith.constant 80 : index
      %get3A_212 = tpu.vector_load %arg8[%get3A_210, %get3A_211] {strides = array<i32>} : memref<32x128xi32, #tpu.memory_space<vmem>>, vector<16xi32>,
      %mul3A_213 = arith.constant 2 : i32
      %mul3A_214 = arith.muli %add3A_171, %mul3A_213 : i32
      %add3A_215 = arith.constant 0 : i32
      %add3A_216 = arith.addi %mul3A_214, %add3A_215 : i32
      %get3A_217 = arith.index_cast %add3A_216 : i32 to index
      %get3A_218 = arith.constant 96 : index
      %get3A_219 = tpu.vector_load %arg8[%get3A_217, %get3A_218] {strides = array<i32>} : memref<32x128xi32, #tpu.memory_space<vmem>>, vector<16xi32>,
      %mul3A_220 = arith.constant 2 : i32
      %mul3A_221 = arith.muli %add3A_171, %mul3A_220 : i32
      %add3A_222 = arith.constant 0 : i32
      %add3A_223 = arith.addi %mul3A_221, %add3A_222 : i32
      %get3A_224 = arith.index_cast %add3A_223 : i32 to index
      %get3A_225 = arith.constant 112 : index
      %get3A_226 = tpu.vector_load %arg8[%get3A_224, %get3A_225] {strides = array<i32>} : memref<32x128xi32, #tpu.memory_space<vmem>>, vector<16xi32>,
      %mul3A_227 = arith.constant 2 : i32
      %mul3A_228 = arith.muli %add3A_171, %mul3A_227 : i32
      %add3A_229 = arith.constant 1 : i32
      %add3A_230 = arith.addi %mul3A_228, %add3A_229 : i32
      %get3A_231 = arith.index_cast %add3A_230 : i32 to index
      %get3A_232 = arith.constant 0 : index
      %get3A_233 = tpu.vector_load %arg8[%get3A_231, %get3A_232] {strides = array<i32>} : memref<32x128xi32, #tpu.memory_space<vmem>>, vector<16xi32>,
      %mul3A_234 = arith.constant 2 : i32
      %mul3A_235 = arith.muli %add3A_171, %mul3A_234 : i32
      %add3A_236 = arith.constant 1 : i32
      %add3A_237 = arith.addi %mul3A_235, %add3A_236 : i32
      %get3A_238 = arith.index_cast %add3A_237 : i32 to index
      %get3A_239 = arith.constant 16 : index
      %get3A_240 = tpu.vector_load %arg8[%get3A_238, %get3A_239] {strides = array<i32>} : memref<32x128xi32, #tpu.memory_space<vmem>>, vector<16xi32>,
      %mul3A_241 = arith.constant 2 : i32
      %mul3A_242 = arith.muli %add3A_171, %mul3A_241 : i32
      %add3A_243 = arith.constant 1 : i32
      %add3A_244 = arith.addi %mul3A_242, %add3A_243 : i32
      %get3A_245 = arith.index_cast %add3A_244 : i32 to index
      %get3A_246 = arith.constant 32 : index
      %get3A_247 = tpu.vector_load %arg8[%get3A_245, %get3A_246] {strides = array<i32>} : memref<32x128xi32, #tpu.memory_space<vmem>>, vector<16xi32>,
      %mul3A_248 = arith.constant 2 : i32
      %mul3A_249 = arith.muli %add3A_171, %mul3A_248 : i32
      %add3A_250 = arith.constant 1 : i32
      %add3A_251 = arith.addi %mul3A_249, %add3A_250 : i32
      %get3A_252 = arith.index_cast %add3A_251 : i32 to index
      %get3A_253 = arith.constant 48 : index
      %get3A_254 = tpu.vector_load %arg8[%get3A_252, %get3A_253] {strides = array<i32>} : memref<32x128xi32, #tpu.memory_space<vmem>>, vector<16xi32>,
      %mul3A_255 = arith.constant 2 : i32
      %mul3A_256 = arith.muli %add3A_171, %mul3A_255 : i32
      %add3A_257 = arith.constant 1 : i32
      %add3A_258 = arith.addi %mul3A_256, %add3A_257 : i32
      %get3A_259 = arith.index_cast %add3A_258 : i32 to index
      %get3A_260 = arith.constant 64 : index
      %get3A_261 = tpu.vector_load %arg8[%get3A_259, %get3A_260] {strides = array<i32>} : memref<32x128xi32, #tpu.memory_space<vmem>>, vector<16xi32>,
      %mul3A_262 = arith.constant 2 : i32
      %mul3A_263 = arith.muli %add3A_171, %mul3A_262 : i32
      %add3A_264 = arith.constant 1 : i32
      %add3A_265 = arith.addi %mul3A_263, %add3A_264 : i32
      %get3A_266 = arith.index_cast %add3A_265 : i32 to index
      %get3A_267 = arith.constant 80 : index
      %get3A_268 = tpu.vector_load %arg8[%get3A_266, %get3A_267] {strides = array<i32>} : memref<32x128xi32, #tpu.memory_space<vmem>>, vector<16xi32>,
      %mul3A_269 = arith.constant 2 : i32
      %mul3A_270 = arith.muli %add3A_171, %mul3A_269 : i32
      %add3A_271 = arith.constant 1 : i32
      %add3A_272 = arith.addi %mul3A_270, %add3A_271 : i32
      %get3A_273 = arith.index_cast %add3A_272 : i32 to index
      %get3A_274 = arith.constant 96 : index
      %get3A_275 = tpu.vector_load %arg8[%get3A_273, %get3A_274] {strides = array<i32>} : memref<32x128xi32, #tpu.memory_space<vmem>>, vector<16xi32>,
      %mul3A_276 = arith.constant 2 : i32
      %mul3A_277 = arith.muli %add3A_171, %mul3A_276 : i32
      %add3A_278 = arith.constant 1 : i32
      %add3A_279 = arith.addi %mul3A_277, %add3A_278 : i32
      %get3A_280 = arith.index_cast %add3A_279 : i32 to index
      %get3A_281 = arith.constant 112 : index
      %get3A_282 = tpu.vector_load %arg8[%get3A_280, %get3A_281] {strides = array<i32>} : memref<32x128xi32, #tpu.memory_space<vmem>>, vector<16xi32>,
      %mul3A_283 = arith.constant 2 : i32
      %mul3A_284 = arith.muli %add3A_171, %mul3A_283 : i32
      %add3A_285 = arith.constant 0 : i32
      %add3A_286 = arith.addi %mul3A_284, %add3A_285 : i32
      %get3A_287 = arith.index_cast %add3A_286 : i32 to index
      %get3A_288 = arith.constant 0 : index
      %get3A_289 = tpu.vector_load %arg7[%get3A_287, %get3A_288] {strides = array<i32>} : memref<32x128xf32, #tpu.memory_space<vmem>>, vector<16xf32>,
      %mul3A_290 = arith.constant 2 : i32
      %mul3A_291 = arith.muli %add3A_171, %mul3A_290 : i32
      %add3A_292 = arith.constant 0 : i32
      %add3A_293 = arith.addi %mul3A_291, %add3A_292 : i32
      %get3A_294 = arith.index_cast %add3A_293 : i32 to index
      %get3A_295 = arith.constant 16 : index
      %get3A_296 = tpu.vector_load %arg7[%get3A_294, %get3A_295] {strides = array<i32>} : memref<32x128xf32, #tpu.memory_space<vmem>>, vector<16xf32>,
      %mul3A_297 = arith.constant 2 : i32
      %mul3A_298 = arith.muli %add3A_171, %mul3A_297 : i32
      %add3A_299 = arith.constant 0 : i32
      %add3A_300 = arith.addi %mul3A_298, %add3A_299 : i32
      %get3A_301 = arith.index_cast %add3A_300 : i32 to index
      %get3A_302 = arith.constant 32 : index
      %get3A_303 = tpu.vector_load %arg7[%get3A_301, %get3A_302] {strides = array<i32>} : memref<32x128xf32, #tpu.memory_space<vmem>>, vector<16xf32>,
      %mul3A_304 = arith.constant 2 : i32
      %mul3A_305 = arith.muli %add3A_171, %mul3A_304 : i32
      %add3A_306 = arith.constant 0 : i32
      %add3A_307 = arith.addi %mul3A_305, %add3A_306 : i32
      %get3A_308 = arith.index_cast %add3A_307 : i32 to index
      %get3A_309 = arith.constant 48 : index
      %get3A_310 = tpu.vector_load %arg7[%get3A_308, %get3A_309] {strides = array<i32>} : memref<32x128xf32, #tpu.memory_space<vmem>>, vector<16xf32>,
      %mul3A_311 = arith.constant 2 : i32
      %mul3A_312 = arith.muli %add3A_171, %mul3A_311 : i32
      %add3A_313 = arith.constant 0 : i32
      %add3A_314 = arith.addi %mul3A_312, %add3A_313 : i32
      %get3A_315 = arith.index_cast %add3A_314 : i32 to index
      %get3A_316 = arith.constant 64 : index
      %get3A_317 = tpu.vector_load %arg7[%get3A_315, %get3A_316] {strides = array<i32>} : memref<32x128xf32, #tpu.memory_space<vmem>>, vector<16xf32>,
      %mul3A_318 = arith.constant 2 : i32
      %mul3A_319 = arith.muli %add3A_171, %mul3A_318 : i32
      %add3A_320 = arith.constant 0 : i32
      %add3A_321 = arith.addi %mul3A_319, %add3A_320 : i32
      %get3A_322 = arith.index_cast %add3A_321 : i32 to index
      %get3A_323 = arith.constant 80 : index
      %get3A_324 = tpu.vector_load %arg7[%get3A_322, %get3A_323] {strides = array<i32>} : memref<32x128xf32, #tpu.memory_space<vmem>>, vector<16xf32>,
      %mul3A_325 = arith.constant 2 : i32
      %mul3A_326 = arith.muli %add3A_171, %mul3A_325 : i32
      %add3A_327 = arith.constant 0 : i32
      %add3A_328 = arith.addi %mul3A_326, %add3A_327 : i32
      %get3A_329 = arith.index_cast %add3A_328 : i32 to index
      %get3A_330 = arith.constant 96 : index
      %get3A_331 = tpu.vector_load %arg7[%get3A_329, %get3A_330] {strides = array<i32>} : memref<32x128xf32, #tpu.memory_space<vmem>>, vector<16xf32>,
      %mul3A_332 = arith.constant 2 : i32
      %mul3A_333 = arith.muli %add3A_171, %mul3A_332 : i32
      %add3A_334 = arith.constant 0 : i32
      %add3A_335 = arith.addi %mul3A_333, %add3A_334 : i32
      %get3A_336 = arith.index_cast %add3A_335 : i32 to index
      %get3A_337 = arith.constant 112 : index
      %get3A_338 = tpu.vector_load %arg7[%get3A_336, %get3A_337] {strides = array<i32>} : memref<32x128xf32, #tpu.memory_space<vmem>>, vector<16xf32>,
      %mul3A_339 = arith.constant 2 : i32
      %mul3A_340 = arith.muli %add3A_171, %mul3A_339 : i32
      %add3A_341 = arith.constant 1 : i32
      %add3A_342 = arith.addi %mul3A_340, %add3A_341 : i32
      %get3A_343 = arith.index_cast %add3A_342 : i32 to index
      %get3A_344 = arith.constant 0 : index
      %get3A_345 = tpu.vector_load %arg7[%get3A_343, %get3A_344] {strides = array<i32>} : memref<32x128xf32, #tpu.memory_space<vmem>>, vector<16xf32>,
      %mul3A_346 = arith.constant 2 : i32
      %mul3A_347 = arith.muli %add3A_171, %mul3A_346 : i32
      %add3A_348 = arith.constant 1 : i32
      %add3A_349 = arith.addi %mul3A_347, %add3A_348 : i32
      %get3A_350 = arith.index_cast %add3A_349 : i32 to index
      %get3A_351 = arith.constant 16 : index
      %get3A_352 = tpu.vector_load %arg7[%get3A_350, %get3A_351] {strides = array<i32>} : memref<32x128xf32, #tpu.memory_space<vmem>>, vector<16xf32>,
      %mul3A_353 = arith.constant 2 : i32
      %mul3A_354 = arith.muli %add3A_171, %mul3A_353 : i32
      %add3A_355 = arith.constant 1 : i32
      %add3A_356 = arith.addi %mul3A_354, %add3A_355 : i32
      %get3A_357 = arith.index_cast %add3A_356 : i32 to index
      %get3A_358 = arith.constant 32 : index
      %get3A_359 = tpu.vector_load %arg7[%get3A_357, %get3A_358] {strides = array<i32>} : memref<32x128xf32, #tpu.memory_space<vmem>>, vector<16xf32>,
      %mul3A_360 = arith.constant 2 : i32
      %mul3A_361 = arith.muli %add3A_171, %mul3A_360 : i32
      %add3A_362 = arith.constant 1 : i32
      %add3A_363 = arith.addi %mul3A_361, %add3A_362 : i32
      %get3A_364 = arith.index_cast %add3A_363 : i32 to index
      %get3A_365 = arith.constant 48 : index
      %get3A_366 = tpu.vector_load %arg7[%get3A_364, %get3A_365] {strides = array<i32>} : memref<32x128xf32, #tpu.memory_space<vmem>>, vector<16xf32>,
      %mul3A_367 = arith.constant 2 : i32
      %mul3A_368 = arith.muli %add3A_171, %mul3A_367 : i32
      %add3A_369 = arith.constant 1 : i32
      %add3A_370 = arith.addi %mul3A_368, %add3A_369 : i32
      %get3A_371 = arith.index_cast %add3A_370 : i32 to index
      %get3A_372 = arith.constant 64 : index
      %get3A_373 = tpu.vector_load %arg7[%get3A_371, %get3A_372] {strides = array<i32>} : memref<32x128xf32, #tpu.memory_space<vmem>>, vector<16xf32>,
      %mul3A_374 = arith.constant 2 : i32
      %mul3A_375 = arith.muli %add3A_171, %mul3A_374 : i32
      %add3A_376 = arith.constant 1 : i32
      %add3A_377 = arith.addi %mul3A_375, %add3A_376 : i32
      %get3A_378 = arith.index_cast %add3A_377 : i32 to index
      %get3A_379 = arith.constant 80 : index
      %get3A_380 = tpu.vector_load %arg7[%get3A_378, %get3A_379] {strides = array<i32>} : memref<32x128xf32, #tpu.memory_space<vmem>>, vector<16xf32>,
      %mul3A_381 = arith.constant 2 : i32
      %mul3A_382 = arith.muli %add3A_171, %mul3A_381 : i32
      %add3A_383 = arith.constant 1 : i32
      %add3A_384 = arith.addi %mul3A_382, %add3A_383 : i32
      %get3A_385 = arith.index_cast %add3A_384 : i32 to index
      %get3A_386 = arith.constant 96 : index
      %get3A_387 = tpu.vector_load %arg7[%get3A_385, %get3A_386] {strides = array<i32>} : memref<32x128xf32, #tpu.memory_space<vmem>>, vector<16xf32>,
      %mul3A_388 = arith.constant 2 : i32
      %mul3A_389 = arith.muli %add3A_171, %mul3A_388 : i32
      %add3A_390 = arith.constant 1 : i32
      %add3A_391 = arith.addi %mul3A_389, %add3A_390 : i32
      %get3A_392 = arith.index_cast %add3A_391 : i32 to index
      %get3A_393 = arith.constant 112 : index
      %get3A_394 = tpu.vector_load %arg7[%get3A_392, %get3A_393] {strides = array<i32>} : memref<32x128xf32, #tpu.memory_space<vmem>>, vector<16xf32>,
      %eq3A_395 = arith.cmpi eq, %get3A_177, %gather3A : vector<16xi32>
      %select_n3A_396 = arith.select %eq3A_395, %get3A_289, %broadcast_in_dim3A_101 : vector<16xi1>, vector<16xf32>
      %add3A_397 = arith.addf %broadcast_in_dim3A_101, %select_n3A_396 : vector<16xf32>
      %eq3A_398 = arith.cmpi eq, %get3A_233, %gather3A : vector<16xi32>
      %select_n3A_399 = arith.select %eq3A_398, %get3A_345, %broadcast_in_dim3A_101 : vector<16xi1>, vector<16xf32>
      %add3A_400 = arith.addf %add3A_397, %select_n3A_399 : vector<16xf32>
      %mul3A_401 = arith.constant 2 : i32
      %mul3A_402 = arith.muli %add3A_171, %mul3A_401 : i32
      %add3A_403 = arith.constant 0 : i32
      %add3A_404 = arith.addi %mul3A_402, %add3A_403 : i32
      %swap3A = arith.index_cast %add3A_404 : i32 to index
      %swap3A_405 = arith.constant 0 : index
      %swap3A_406 = tpu.vector_load %arg10[%swap3A, %swap3A_405] {strides = array<i32>} : memref<32x128xf32, #tpu.memory_space<vmem>>, vector<16xf32>,
      tpu.vector_store %arg10[%swap3A, %swap3A_405], %add3A_400 {strides = array<i32>} : memref<32x128xf32, #tpu.memory_space<vmem>>, vector<16xf32>,
      %eq3A_407 = arith.cmpi eq, %get3A_184, %gather3A : vector<16xi32>
      %select_n3A_408 = arith.select %eq3A_407, %get3A_296, %broadcast_in_dim3A_101 : vector<16xi1>, vector<16xf32>
      %add3A_409 = arith.addf %broadcast_in_dim3A_101, %select_n3A_408 : vector<16xf32>
      %eq3A_410 = arith.cmpi eq, %get3A_240, %gather3A : vector<16xi32>
      %select_n3A_411 = arith.select %eq3A_410, %get3A_352, %broadcast_in_dim3A_101 : vector<16xi1>, vector<16xf32>
      %add3A_412 = arith.addf %add3A_409, %select_n3A_411 : vector<16xf32>
      %mul3A_413 = arith.constant 2 : i32
      %mul3A_414 = arith.muli %add3A_171, %mul3A_413 : i32
      %add3A_415 = arith.constant 0 : i32
      %add3A_416 = arith.addi %mul3A_414, %add3A_415 : i32
      %swap3A_417 = arith.index_cast %add3A_416 : i32 to index
      %swap3A_418 = arith.constant 16 : index
      %swap3A_419 = tpu.vector_load %arg10[%swap3A_417, %swap3A_418] {strides = array<i32>} : memref<32x128xf32, #tpu.memory_space<vmem>>, vector<16xf32>,
      tpu.vector_store %arg10[%swap3A_417, %swap3A_418], %add3A_412 {strides = array<i32>} : memref<32x128xf32, #tpu.memory_space<vmem>>, vector<16xf32>,
      %eq3A_420 = arith.cmpi eq, %get3A_191, %gather3A : vector<16xi32>
      %select_n3A_421 = arith.select %eq3A_420, %get3A_303, %broadcast_in_dim3A_101 : vector<16xi1>, vector<16xf32>
      %add3A_422 = arith.addf %broadcast_in_dim3A_101, %select_n3A_421 : vector<16xf32>
      %eq3A_423 = arith.cmpi eq, %get3A_247, %gather3A : vector<16xi32>
      %select_n3A_424 = arith.select %eq3A_423, %get3A_359, %broadcast_in_dim3A_101 : vector<16xi1>, vector<16xf32>
      %add3A_425 = arith.addf %add3A_422, %select_n3A_424 : vector<16xf32>
      %mul3A_426 = arith.constant 2 : i32
      %mul3A_427 = arith.muli %add3A_171, %mul3A_426 : i32
      %add3A_428 = arith.constant 0 : i32
      %add3A_429 = arith.addi %mul3A_427, %add3A_428 : i32
      %swap3A_430 = arith.index_cast %add3A_429 : i32 to index
      %swap3A_431 = arith.constant 32 : index
      %swap3A_432 = tpu.vector_load %arg10[%swap3A_430, %swap3A_431] {strides = array<i32>} : memref<32x128xf32, #tpu.memory_space<vmem>>, vector<16xf32>,
      tpu.vector_store %arg10[%swap3A_430, %swap3A_431], %add3A_425 {strides = array<i32>} : memref<32x128xf32, #tpu.memory_space<vmem>>, vector<16xf32>,
      %eq3A_433 = arith.cmpi eq, %get3A_198, %gather3A : vector<16xi32>
      %select_n3A_434 = arith.select %eq3A_433, %get3A_310, %broadcast_in_dim3A_101 : vector<16xi1>, vector<16xf32>
      %add3A_435 = arith.addf %broadcast_in_dim3A_101, %select_n3A_434 : vector<16xf32>
      %eq3A_436 = arith.cmpi eq, %get3A_254, %gather3A : vector<16xi32>
      %select_n3A_437 = arith.select %eq3A_436, %get3A_366, %broadcast_in_dim3A_101 : vector<16xi1>, vector<16xf32>
      %add3A_438 = arith.addf %add3A_435, %select_n3A_437 : vector<16xf32>
      %mul3A_439 = arith.constant 2 : i32
      %mul3A_440 = arith.muli %add3A_171, %mul3A_439 : i32
      %add3A_441 = arith.constant 0 : i32
      %add3A_442 = arith.addi %mul3A_440, %add3A_441 : i32
      %swap3A_443 = arith.index_cast %add3A_442 : i32 to index
      %swap3A_444 = arith.constant 48 : index
      %swap3A_445 = tpu.vector_load %arg10[%swap3A_443, %swap3A_444] {strides = array<i32>} : memref<32x128xf32, #tpu.memory_space<vmem>>, vector<16xf32>,
      tpu.vector_store %arg10[%swap3A_443, %swap3A_444], %add3A_438 {strides = array<i32>} : memref<32x128xf32, #tpu.memory_space<vmem>>, vector<16xf32>,
      %eq3A_446 = arith.cmpi eq, %get3A_205, %gather3A : vector<16xi32>
      %select_n3A_447 = arith.select %eq3A_446, %get3A_317, %broadcast_in_dim3A_101 : vector<16xi1>, vector<16xf32>
      %add3A_448 = arith.addf %broadcast_in_dim3A_101, %select_n3A_447 : vector<16xf32>
      %eq3A_449 = arith.cmpi eq, %get3A_261, %gather3A : vector<16xi32>
      %select_n3A_450 = arith.select %eq3A_449, %get3A_373, %broadcast_in_dim3A_101 : vector<16xi1>, vector<16xf32>
      %add3A_451 = arith.addf %add3A_448, %select_n3A_450 : vector<16xf32>
      %mul3A_452 = arith.constant 2 : i32
      %mul3A_453 = arith.muli %add3A_171, %mul3A_452 : i32
      %add3A_454 = arith.constant 0 : i32
      %add3A_455 = arith.addi %mul3A_453, %add3A_454 : i32
      %swap3A_456 = arith.index_cast %add3A_455 : i32 to index
      %swap3A_457 = arith.constant 64 : index
      %swap3A_458 = tpu.vector_load %arg10[%swap3A_456, %swap3A_457] {strides = array<i32>} : memref<32x128xf32, #tpu.memory_space<vmem>>, vector<16xf32>,
      tpu.vector_store %arg10[%swap3A_456, %swap3A_457], %add3A_451 {strides = array<i32>} : memref<32x128xf32, #tpu.memory_space<vmem>>, vector<16xf32>,
      %eq3A_459 = arith.cmpi eq, %get3A_212, %gather3A : vector<16xi32>
      %select_n3A_460 = arith.select %eq3A_459, %get3A_324, %broadcast_in_dim3A_101 : vector<16xi1>, vector<16xf32>
      %add3A_461 = arith.addf %broadcast_in_dim3A_101, %select_n3A_460 : vector<16xf32>
      %eq3A_462 = arith.cmpi eq, %get3A_268, %gather3A : vector<16xi32>
      %select_n3A_463 = arith.select %eq3A_462, %get3A_380, %broadcast_in_dim3A_101 : vector<16xi1>, vector<16xf32>
      %add3A_464 = arith.addf %add3A_461, %select_n3A_463 : vector<16xf32>
      %mul3A_465 = arith.constant 2 : i32
      %mul3A_466 = arith.muli %add3A_171, %mul3A_465 : i32
      %add3A_467 = arith.constant 0 : i32
      %add3A_468 = arith.addi %mul3A_466, %add3A_467 : i32
      %swap3A_469 = arith.index_cast %add3A_468 : i32 to index
      %swap3A_470 = arith.constant 80 : index
      %swap3A_471 = tpu.vector_load %arg10[%swap3A_469, %swap3A_470] {strides = array<i32>} : memref<32x128xf32, #tpu.memory_space<vmem>>, vector<16xf32>,
      tpu.vector_store %arg10[%swap3A_469, %swap3A_470], %add3A_464 {strides = array<i32>} : memref<32x128xf32, #tpu.memory_space<vmem>>, vector<16xf32>,
      %eq3A_472 = arith.cmpi eq, %get3A_219, %gather3A : vector<16xi32>
      %select_n3A_473 = arith.select %eq3A_472, %get3A_331, %broadcast_in_dim3A_101 : vector<16xi1>, vector<16xf32>
      %add3A_474 = arith.addf %broadcast_in_dim3A_101, %select_n3A_473 : vector<16xf32>
      %eq3A_475 = arith.cmpi eq, %get3A_275, %gather3A : vector<16xi32>
      %select_n3A_476 = arith.select %eq3A_475, %get3A_387, %broadcast_in_dim3A_101 : vector<16xi1>, vector<16xf32>
      %add3A_477 = arith.addf %add3A_474, %select_n3A_476 : vector<16xf32>
      %mul3A_478 = arith.constant 2 : i32
      %mul3A_479 = arith.muli %add3A_171, %mul3A_478 : i32
      %add3A_480 = arith.constant 0 : i32
      %add3A_481 = arith.addi %mul3A_479, %add3A_480 : i32
      %swap3A_482 = arith.index_cast %add3A_481 : i32 to index
      %swap3A_483 = arith.constant 96 : index
      %swap3A_484 = tpu.vector_load %arg10[%swap3A_482, %swap3A_483] {strides = array<i32>} : memref<32x128xf32, #tpu.memory_space<vmem>>, vector<16xf32>,
      tpu.vector_store %arg10[%swap3A_482, %swap3A_483], %add3A_477 {strides = array<i32>} : memref<32x128xf32, #tpu.memory_space<vmem>>, vector<16xf32>,
      %eq3A_485 = arith.cmpi eq, %get3A_226, %gather3A : vector<16xi32>
      %select_n3A_486 = arith.select %eq3A_485, %get3A_338, %broadcast_in_dim3A_101 : vector<16xi1>, vector<16xf32>
      %add3A_487 = arith.addf %broadcast_in_dim3A_101, %select_n3A_486 : vector<16xf32>
      %eq3A_488 = arith.cmpi eq, %get3A_282, %gather3A : vector<16xi32>
      %select_n3A_489 = arith.select %eq3A_488, %get3A_394, %broadcast_in_dim3A_101 : vector<16xi1>, vector<16xf32>
      %add3A_490 = arith.addf %add3A_487, %select_n3A_489 : vector<16xf32>
      %mul3A_491 = arith.constant 2 : i32
      %mul3A_492 = arith.muli %add3A_171, %mul3A_491 : i32
      %add3A_493 = arith.constant 0 : i32
      %add3A_494 = arith.addi %mul3A_492, %add3A_493 : i32
      %swap3A_495 = arith.index_cast %add3A_494 : i32 to index
      %swap3A_496 = arith.constant 112 : index
      %swap3A_497 = tpu.vector_load %arg10[%swap3A_495, %swap3A_496] {strides = array<i32>} : memref<32x128xf32, #tpu.memory_space<vmem>>, vector<16xf32>,
      tpu.vector_store %arg10[%swap3A_495, %swap3A_496], %add3A_490 {strides = array<i32>} : memref<32x128xf32, #tpu.memory_space<vmem>>, vector<16xf32>,
      %jit3A_498 = arith.constant 2 : i32
      %div3A_499 = arith.divsi %add3A_171, %jit3A_498 : i32
      %sign3A_500 = arith.constant 0 : i32
      %sign3A_501 = arith.cmpi sgt, %add3A_171, %sign3A_500 : i32
      %sign3A_502 = arith.extui %sign3A_501 : i1 to i32
      %sign3A_503 = arith.constant 0 : i32
      %sign3A_504 = arith.cmpi slt, %add3A_171, %sign3A_503 : i32
      %sign3A_505 = arith.extui %sign3A_504 : i1 to i32
      %sign3A_506 = arith.subi %sign3A_502, %sign3A_505 : i32
      %sign3A_507 = arith.constant 0 : i32
      %sign3A_508 = arith.cmpi sgt, %jit3A_498, %sign3A_507 : i32
      %sign3A_509 = arith.extui %sign3A_508 : i1 to i32
      %sign3A_510 = arith.constant 0 : i32
      %sign3A_511 = arith.cmpi slt, %jit3A_498, %sign3A_510 : i32
      %sign3A_512 = arith.extui %sign3A_511 : i1 to i32
      %sign3A_513 = arith.subi %sign3A_509, %sign3A_512 : i32
      %ne3A_514 = arith.cmpi ne, %sign3A_506, %sign3A_513 : i32
      %rem3A_515 = arith.remsi %add3A_171, %jit3A_498 : i32
      %ne3A_516 = arith.constant 0 : i32
      %ne3A_517 = arith.cmpi ne, %rem3A_515, %ne3A_516 : i32
      %and3A_518 = arith.andi %ne3A_514, %ne3A_517 : i1
      %sub3A_519 = arith.constant 1 : i32
      %sub3A_520 = arith.subi %div3A_499, %sub3A_519 : i32
      %select_n3A_521 = arith.select %and3A_518, %sub3A_520, %div3A_499 : i32
      %mul3A_522 = arith.constant 2 : i32
      %mul3A_523 = arith.muli %select_n3A_521, %mul3A_522 : i32
      %add3A_524 = arith.constant 0 : i32
      %add3A_525 = arith.addi %mul3A_523, %add3A_524 : i32
      %jit3A_526 = arith.constant 2 : i32
      %eq3A_527 = arith.constant 0 : i32
      %eq3A_528 = arith.cmpi eq, %jit3A_526, %eq3A_527 : i32
      %jit3A_529 = arith.constant 1 : i32
      %select_n3A_530 = arith.select %eq3A_528, %jit3A_529, %jit3A_526 : i32
      %rem3A_531 = arith.remsi %add3A_171, %select_n3A_530 : i32
      %ne3A_532 = arith.constant 0 : i32
      %ne3A_533 = arith.cmpi ne, %rem3A_531, %ne3A_532 : i32
      %lt3A_534 = arith.constant 0 : i32
      %lt3A_535 = arith.cmpi slt, %rem3A_531, %lt3A_534 : i32
      %lt3A_536 = arith.constant 0 : i32
      %lt3A_537 = arith.cmpi slt, %select_n3A_530, %lt3A_536 : i32
      %ne3A_538 = arith.xori %lt3A_535, %lt3A_537 : i1
      %and3A_539 = arith.andi %ne3A_538, %ne3A_533 : i1
      %add3A_540 = arith.addi %rem3A_531, %select_n3A_530 : i32
      %select_n3A_541 = arith.select %and3A_539, %add3A_540, %rem3A_531 : i32
      %mul3A_542 = arith.constant 64 : i32
      %mul3A_543 = arith.muli %select_n3A_541, %mul3A_542 : i32
      %lt3A_544 = arith.constant 0 : i32
      %lt3A_545 = vector.broadcast %lt3A_544 : i32 to vector<16xi32>
      %lt3A_546 = arith.cmpi slt, %xor3A_112, %lt3A_545 : vector<16xi32>
      %add3A_547 = arith.constant 16 : i32
      %add3A_548 = vector.broadcast %add3A_547 : i32 to vector<16xi32>
      %add3A_549 = arith.addi %xor3A_112, %add3A_548 : vector<16xi32>
      %select_n3A_550 = arith.select %lt3A_546, %add3A_549, %xor3A_112 : vector<16xi1>, vector<16xi32>
      %broadcast_in_dim3A_551 = vector.shape_cast %select_n3A_550 : vector<16xi32> to vector<16x1xi32>
      %gather3A_552 = vector.shape_cast %broadcast_in_dim3A_551 : vector<16x1xi32> to vector<16xi32>
      %gather3A_553 = tpu.dynamic_gather %add3A_400[%gather3A_552] in [0] : vector<16xf32>, vector<16xi32> -> vector<16xf32>
      %max3A = arith.maximumf %add3A_400, %gather3A_553 : vector<16xf32>
      %lt3A_554 = arith.constant 0 : i32
      %lt3A_555 = vector.broadcast %lt3A_554 : i32 to vector<16xi32>
      %lt3A_556 = arith.cmpi slt, %xor3A_112, %lt3A_555 : vector<16xi32>
      %add3A_557 = arith.constant 16 : i32
      %add3A_558 = vector.broadcast %add3A_557 : i32 to vector<16xi32>
      %add3A_559 = arith.addi %xor3A_112, %add3A_558 : vector<16xi32>
      %select_n3A_560 = arith.select %lt3A_556, %add3A_559, %xor3A_112 : vector<16xi1>, vector<16xi32>
      %broadcast_in_dim3A_561 = vector.shape_cast %select_n3A_560 : vector<16xi32> to vector<16x1xi32>
      %gather3A_562 = vector.shape_cast %broadcast_in_dim3A_561 : vector<16x1xi32> to vector<16xi32>
      %gather3A_563 = tpu.dynamic_gather %add3A_412[%gather3A_562] in [0] : vector<16xf32>, vector<16xi32> -> vector<16xf32>
      %max3A_564 = arith.maximumf %add3A_412, %gather3A_563 : vector<16xf32>
      %lt3A_565 = arith.constant 0 : i32
      %lt3A_566 = vector.broadcast %lt3A_565 : i32 to vector<16xi32>
      %lt3A_567 = arith.cmpi slt, %and3A_107, %lt3A_566 : vector<16xi32>
      %add3A_568 = arith.constant 16 : i32
      %add3A_569 = vector.broadcast %add3A_568 : i32 to vector<16xi32>
      %add3A_570 = arith.addi %and3A_107, %add3A_569 : vector<16xi32>
      %select_n3A_571 = arith.select %lt3A_567, %add3A_570, %and3A_107 : vector<16xi1>, vector<16xi32>
      %broadcast_in_dim3A_572 = vector.shape_cast %select_n3A_571 : vector<16xi32> to vector<16x1xi32>
      %gather3A_573 = vector.shape_cast %broadcast_in_dim3A_572 : vector<16x1xi32> to vector<16xi32>
      %gather3A_574 = tpu.dynamic_gather %max3A[%gather3A_573] in [0] : vector<16xf32>, vector<16xi32> -> vector<16xf32>
      %lt3A_575 = arith.constant 0 : i32
      %lt3A_576 = vector.broadcast %lt3A_575 : i32 to vector<16xi32>
      %lt3A_577 = arith.cmpi slt, %and3A_107, %lt3A_576 : vector<16xi32>
      %add3A_578 = arith.constant 16 : i32
      %add3A_579 = vector.broadcast %add3A_578 : i32 to vector<16xi32>
      %add3A_580 = arith.addi %and3A_107, %add3A_579 : vector<16xi32>
      %select_n3A_581 = arith.select %lt3A_577, %add3A_580, %and3A_107 : vector<16xi1>, vector<16xi32>
      %broadcast_in_dim3A_582 = vector.shape_cast %select_n3A_581 : vector<16xi32> to vector<16x1xi32>
      %gather3A_583 = vector.shape_cast %broadcast_in_dim3A_582 : vector<16x1xi32> to vector<16xi32>
      %gather3A_584 = tpu.dynamic_gather %max3A_564[%gather3A_583] in [0] : vector<16xf32>, vector<16xi32> -> vector<16xf32>
      %select_n3A_585 = arith.select %lt3A_110, %gather3A_574, %gather3A_584 : vector<16xi1>, vector<16xf32>
      %add3A_586 = arith.constant 0 : i32
      %add3A_587 = arith.addi %mul3A_543, %add3A_586 : i32
      %swap3A_588 = arith.index_cast %add3A_525 : i32 to index
      %swap3A_589 = arith.index_cast %add3A_587 : i32 to index
      %swap3A_590 = tpu.vector_load %arg11[%swap3A_588, %swap3A_589] {strides = array<i32>} : memref<16x128xf32, #tpu.memory_space<vmem>>, vector<16xf32>,
      tpu.vector_store %arg11[%swap3A_588, %swap3A_589], %select_n3A_585 {strides = array<i32>} : memref<16x128xf32, #tpu.memory_space<vmem>>, vector<16xf32>,
      %lt3A_591 = arith.constant 0 : i32
      %lt3A_592 = vector.broadcast %lt3A_591 : i32 to vector<16xi32>
      %lt3A_593 = arith.cmpi slt, %xor3A_112, %lt3A_592 : vector<16xi32>
      %add3A_594 = arith.constant 16 : i32
      %add3A_595 = vector.broadcast %add3A_594 : i32 to vector<16xi32>
      %add3A_596 = arith.addi %xor3A_112, %add3A_595 : vector<16xi32>
      %select_n3A_597 = arith.select %lt3A_593, %add3A_596, %xor3A_112 : vector<16xi1>, vector<16xi32>
      %broadcast_in_dim3A_598 = vector.shape_cast %select_n3A_597 : vector<16xi32> to vector<16x1xi32>
      %gather3A_599 = vector.shape_cast %broadcast_in_dim3A_598 : vector<16x1xi32> to vector<16xi32>
      %gather3A_600 = tpu.dynamic_gather %add3A_425[%gather3A_599] in [0] : vector<16xf32>, vector<16xi32> -> vector<16xf32>
      %max3A_601 = arith.maximumf %add3A_425, %gather3A_600 : vector<16xf32>
      %lt3A_602 = arith.constant 0 : i32
      %lt3A_603 = vector.broadcast %lt3A_602 : i32 to vector<16xi32>
      %lt3A_604 = arith.cmpi slt, %xor3A_112, %lt3A_603 : vector<16xi32>
      %add3A_605 = arith.constant 16 : i32
      %add3A_606 = vector.broadcast %add3A_605 : i32 to vector<16xi32>
      %add3A_607 = arith.addi %xor3A_112, %add3A_606 : vector<16xi32>
      %select_n3A_608 = arith.select %lt3A_604, %add3A_607, %xor3A_112 : vector<16xi1>, vector<16xi32>
      %broadcast_in_dim3A_609 = vector.shape_cast %select_n3A_608 : vector<16xi32> to vector<16x1xi32>
      %gather3A_610 = vector.shape_cast %broadcast_in_dim3A_609 : vector<16x1xi32> to vector<16xi32>
      %gather3A_611 = tpu.dynamic_gather %add3A_438[%gather3A_610] in [0] : vector<16xf32>, vector<16xi32> -> vector<16xf32>
      %max3A_612 = arith.maximumf %add3A_438, %gather3A_611 : vector<16xf32>
      %lt3A_613 = arith.constant 0 : i32
      %lt3A_614 = vector.broadcast %lt3A_613 : i32 to vector<16xi32>
      %lt3A_615 = arith.cmpi slt, %and3A_107, %lt3A_614 : vector<16xi32>
      %add3A_616 = arith.constant 16 : i32
      %add3A_617 = vector.broadcast %add3A_616 : i32 to vector<16xi32>
      %add3A_618 = arith.addi %and3A_107, %add3A_617 : vector<16xi32>
      %select_n3A_619 = arith.select %lt3A_615, %add3A_618, %and3A_107 : vector<16xi1>, vector<16xi32>
      %broadcast_in_dim3A_620 = vector.shape_cast %select_n3A_619 : vector<16xi32> to vector<16x1xi32>
      %gather3A_621 = vector.shape_cast %broadcast_in_dim3A_620 : vector<16x1xi32> to vector<16xi32>
      %gather3A_622 = tpu.dynamic_gather %max3A_601[%gather3A_621] in [0] : vector<16xf32>, vector<16xi32> -> vector<16xf32>
      %lt3A_623 = arith.constant 0 : i32
      %lt3A_624 = vector.broadcast %lt3A_623 : i32 to vector<16xi32>
      %lt3A_625 = arith.cmpi slt, %and3A_107, %lt3A_624 : vector<16xi32>
      %add3A_626 = arith.constant 16 : i32
      %add3A_627 = vector.broadcast %add3A_626 : i32 to vector<16xi32>
      %add3A_628 = arith.addi %and3A_107, %add3A_627 : vector<16xi32>
      %select_n3A_629 = arith.select %lt3A_625, %add3A_628, %and3A_107 : vector<16xi1>, vector<16xi32>
      %broadcast_in_dim3A_630 = vector.shape_cast %select_n3A_629 : vector<16xi32> to vector<16x1xi32>
      %gather3A_631 = vector.shape_cast %broadcast_in_dim3A_630 : vector<16x1xi32> to vector<16xi32>
      %gather3A_632 = tpu.dynamic_gather %max3A_612[%gather3A_631] in [0] : vector<16xf32>, vector<16xi32> -> vector<16xf32>
      %select_n3A_633 = arith.select %lt3A_110, %gather3A_622, %gather3A_632 : vector<16xi1>, vector<16xf32>
      %add3A_634 = arith.constant 16 : i32
      %add3A_635 = arith.addi %mul3A_543, %add3A_634 : i32
      %swap3A_636 = arith.index_cast %add3A_525 : i32 to index
      %swap3A_637 = arith.index_cast %add3A_635 : i32 to index
      %swap3A_638 = tpu.vector_load %arg11[%swap3A_636, %swap3A_637] {strides = array<i32>} : memref<16x128xf32, #tpu.memory_space<vmem>>, vector<16xf32>,
      tpu.vector_store %arg11[%swap3A_636, %swap3A_637], %select_n3A_633 {strides = array<i32>} : memref<16x128xf32, #tpu.memory_space<vmem>>, vector<16xf32>,
      %lt3A_639 = arith.constant 0 : i32
      %lt3A_640 = vector.broadcast %lt3A_639 : i32 to vector<16xi32>
      %lt3A_641 = arith.cmpi slt, %xor3A_112, %lt3A_640 : vector<16xi32>
      %add3A_642 = arith.constant 16 : i32
      %add3A_643 = vector.broadcast %add3A_642 : i32 to vector<16xi32>
      %add3A_644 = arith.addi %xor3A_112, %add3A_643 : vector<16xi32>
      %select_n3A_645 = arith.select %lt3A_641, %add3A_644, %xor3A_112 : vector<16xi1>, vector<16xi32>
      %broadcast_in_dim3A_646 = vector.shape_cast %select_n3A_645 : vector<16xi32> to vector<16x1xi32>
      %gather3A_647 = vector.shape_cast %broadcast_in_dim3A_646 : vector<16x1xi32> to vector<16xi32>
      %gather3A_648 = tpu.dynamic_gather %add3A_451[%gather3A_647] in [0] : vector<16xf32>, vector<16xi32> -> vector<16xf32>
      %max3A_649 = arith.maximumf %add3A_451, %gather3A_648 : vector<16xf32>
      %lt3A_650 = arith.constant 0 : i32
      %lt3A_651 = vector.broadcast %lt3A_650 : i32 to vector<16xi32>
      %lt3A_652 = arith.cmpi slt, %xor3A_112, %lt3A_651 : vector<16xi32>
      %add3A_653 = arith.constant 16 : i32
      %add3A_654 = vector.broadcast %add3A_653 : i32 to vector<16xi32>
      %add3A_655 = arith.addi %xor3A_112, %add3A_654 : vector<16xi32>
      %select_n3A_656 = arith.select %lt3A_652, %add3A_655, %xor3A_112 : vector<16xi1>, vector<16xi32>
      %broadcast_in_dim3A_657 = vector.shape_cast %select_n3A_656 : vector<16xi32> to vector<16x1xi32>
      %gather3A_658 = vector.shape_cast %broadcast_in_dim3A_657 : vector<16x1xi32> to vector<16xi32>
      %gather3A_659 = tpu.dynamic_gather %add3A_464[%gather3A_658] in [0] : vector<16xf32>, vector<16xi32> -> vector<16xf32>
      %max3A_660 = arith.maximumf %add3A_464, %gather3A_659 : vector<16xf32>
      %lt3A_661 = arith.constant 0 : i32
      %lt3A_662 = vector.broadcast %lt3A_661 : i32 to vector<16xi32>
      %lt3A_663 = arith.cmpi slt, %and3A_107, %lt3A_662 : vector<16xi32>
      %add3A_664 = arith.constant 16 : i32
      %add3A_665 = vector.broadcast %add3A_664 : i32 to vector<16xi32>
      %add3A_666 = arith.addi %and3A_107, %add3A_665 : vector<16xi32>
      %select_n3A_667 = arith.select %lt3A_663, %add3A_666, %and3A_107 : vector<16xi1>, vector<16xi32>
      %broadcast_in_dim3A_668 = vector.shape_cast %select_n3A_667 : vector<16xi32> to vector<16x1xi32>
      %gather3A_669 = vector.shape_cast %broadcast_in_dim3A_668 : vector<16x1xi32> to vector<16xi32>
      %gather3A_670 = tpu.dynamic_gather %max3A_649[%gather3A_669] in [0] : vector<16xf32>, vector<16xi32> -> vector<16xf32>
      %lt3A_671 = arith.constant 0 : i32
      %lt3A_672 = vector.broadcast %lt3A_671 : i32 to vector<16xi32>
      %lt3A_673 = arith.cmpi slt, %and3A_107, %lt3A_672 : vector<16xi32>
      %add3A_674 = arith.constant 16 : i32
      %add3A_675 = vector.broadcast %add3A_674 : i32 to vector<16xi32>
      %add3A_676 = arith.addi %and3A_107, %add3A_675 : vector<16xi32>
      %select_n3A_677 = arith.select %lt3A_673, %add3A_676, %and3A_107 : vector<16xi1>, vector<16xi32>
      %broadcast_in_dim3A_678 = vector.shape_cast %select_n3A_677 : vector<16xi32> to vector<16x1xi32>
      %gather3A_679 = vector.shape_cast %broadcast_in_dim3A_678 : vector<16x1xi32> to vector<16xi32>
      %gather3A_680 = tpu.dynamic_gather %max3A_660[%gather3A_679] in [0] : vector<16xf32>, vector<16xi32> -> vector<16xf32>
      %select_n3A_681 = arith.select %lt3A_110, %gather3A_670, %gather3A_680 : vector<16xi1>, vector<16xf32>
      %add3A_682 = arith.constant 32 : i32
      %add3A_683 = arith.addi %mul3A_543, %add3A_682 : i32
      %swap3A_684 = arith.index_cast %add3A_525 : i32 to index
      %swap3A_685 = arith.index_cast %add3A_683 : i32 to index
      %swap3A_686 = tpu.vector_load %arg11[%swap3A_684, %swap3A_685] {strides = array<i32>} : memref<16x128xf32, #tpu.memory_space<vmem>>, vector<16xf32>,
      tpu.vector_store %arg11[%swap3A_684, %swap3A_685], %select_n3A_681 {strides = array<i32>} : memref<16x128xf32, #tpu.memory_space<vmem>>, vector<16xf32>,
      %lt3A_687 = arith.constant 0 : i32
      %lt3A_688 = vector.broadcast %lt3A_687 : i32 to vector<16xi32>
      %lt3A_689 = arith.cmpi slt, %xor3A_112, %lt3A_688 : vector<16xi32>
      %add3A_690 = arith.constant 16 : i32
      %add3A_691 = vector.broadcast %add3A_690 : i32 to vector<16xi32>
      %add3A_692 = arith.addi %xor3A_112, %add3A_691 : vector<16xi32>
      %select_n3A_693 = arith.select %lt3A_689, %add3A_692, %xor3A_112 : vector<16xi1>, vector<16xi32>
      %broadcast_in_dim3A_694 = vector.shape_cast %select_n3A_693 : vector<16xi32> to vector<16x1xi32>
      %gather3A_695 = vector.shape_cast %broadcast_in_dim3A_694 : vector<16x1xi32> to vector<16xi32>
      %gather3A_696 = tpu.dynamic_gather %add3A_477[%gather3A_695] in [0] : vector<16xf32>, vector<16xi32> -> vector<16xf32>
      %max3A_697 = arith.maximumf %add3A_477, %gather3A_696 : vector<16xf32>
      %lt3A_698 = arith.constant 0 : i32
      %lt3A_699 = vector.broadcast %lt3A_698 : i32 to vector<16xi32>
      %lt3A_700 = arith.cmpi slt, %xor3A_112, %lt3A_699 : vector<16xi32>
      %add3A_701 = arith.constant 16 : i32
      %add3A_702 = vector.broadcast %add3A_701 : i32 to vector<16xi32>
      %add3A_703 = arith.addi %xor3A_112, %add3A_702 : vector<16xi32>
      %select_n3A_704 = arith.select %lt3A_700, %add3A_703, %xor3A_112 : vector<16xi1>, vector<16xi32>
      %broadcast_in_dim3A_705 = vector.shape_cast %select_n3A_704 : vector<16xi32> to vector<16x1xi32>
      %gather3A_706 = vector.shape_cast %broadcast_in_dim3A_705 : vector<16x1xi32> to vector<16xi32>
      %gather3A_707 = tpu.dynamic_gather %add3A_490[%gather3A_706] in [0] : vector<16xf32>, vector<16xi32> -> vector<16xf32>
      %max3A_708 = arith.maximumf %add3A_490, %gather3A_707 : vector<16xf32>
      %lt3A_709 = arith.constant 0 : i32
      %lt3A_710 = vector.broadcast %lt3A_709 : i32 to vector<16xi32>
      %lt3A_711 = arith.cmpi slt, %and3A_107, %lt3A_710 : vector<16xi32>
      %add3A_712 = arith.constant 16 : i32
      %add3A_713 = vector.broadcast %add3A_712 : i32 to vector<16xi32>
      %add3A_714 = arith.addi %and3A_107, %add3A_713 : vector<16xi32>
      %select_n3A_715 = arith.select %lt3A_711, %add3A_714, %and3A_107 : vector<16xi1>, vector<16xi32>
      %broadcast_in_dim3A_716 = vector.shape_cast %select_n3A_715 : vector<16xi32> to vector<16x1xi32>
      %gather3A_717 = vector.shape_cast %broadcast_in_dim3A_716 : vector<16x1xi32> to vector<16xi32>
      %gather3A_718 = tpu.dynamic_gather %max3A_697[%gather3A_717] in [0] : vector<16xf32>, vector<16xi32> -> vector<16xf32>
      %lt3A_719 = arith.constant 0 : i32
      %lt3A_720 = vector.broadcast %lt3A_719 : i32 to vector<16xi32>
      %lt3A_721 = arith.cmpi slt, %and3A_107, %lt3A_720 : vector<16xi32>
      %add3A_722 = arith.constant 16 : i32
      %add3A_723 = vector.broadcast %add3A_722 : i32 to vector<16xi32>
      %add3A_724 = arith.addi %and3A_107, %add3A_723 : vector<16xi32>
      %select_n3A_725 = arith.select %lt3A_721, %add3A_724, %and3A_107 : vector<16xi1>, vector<16xi32>
      %broadcast_in_dim3A_726 = vector.shape_cast %select_n3A_725 : vector<16xi32> to vector<16x1xi32>
      %gather3A_727 = vector.shape_cast %broadcast_in_dim3A_726 : vector<16x1xi32> to vector<16xi32>
      %gather3A_728 = tpu.dynamic_gather %max3A_708[%gather3A_727] in [0] : vector<16xf32>, vector<16xi32> -> vector<16xf32>
      %select_n3A_729 = arith.select %lt3A_110, %gather3A_718, %gather3A_728 : vector<16xi1>, vector<16xf32>
      %add3A_730 = arith.constant 48 : i32
      %add3A_731 = arith.addi %mul3A_543, %add3A_730 : i32
      %swap3A_732 = arith.index_cast %add3A_525 : i32 to index
      %swap3A_733 = arith.index_cast %add3A_731 : i32 to index
      %swap3A_734 = tpu.vector_load %arg11[%swap3A_732, %swap3A_733] {strides = array<i32>} : memref<16x128xf32, #tpu.memory_space<vmem>>, vector<16xf32>,
      tpu.vector_store %arg11[%swap3A_732, %swap3A_733], %select_n3A_729 {strides = array<i32>} : memref<16x128xf32, #tpu.memory_space<vmem>>, vector<16xf32>,
      %eq3A_735 = arith.cmpi eq, %get3A_177, %gather3A_99 : vector<16xi32>
      %select_n3A_736 = arith.select %eq3A_735, %get3A_289, %broadcast_in_dim3A_101 : vector<16xi1>, vector<16xf32>
      %add3A_737 = arith.addf %broadcast_in_dim3A_101, %select_n3A_736 : vector<16xf32>
      %eq3A_738 = arith.cmpi eq, %get3A_233, %gather3A_99 : vector<16xi32>
      %select_n3A_739 = arith.select %eq3A_738, %get3A_345, %broadcast_in_dim3A_101 : vector<16xi1>, vector<16xf32>
      %add3A_740 = arith.addf %add3A_737, %select_n3A_739 : vector<16xf32>
      %mul3A_741 = arith.constant 2 : i32
      %mul3A_742 = arith.muli %add3A_171, %mul3A_741 : i32
      %add3A_743 = arith.constant 1 : i32
      %add3A_744 = arith.addi %mul3A_742, %add3A_743 : i32
      %swap3A_745 = arith.index_cast %add3A_744 : i32 to index
      %swap3A_746 = arith.constant 0 : index
      %swap3A_747 = tpu.vector_load %arg10[%swap3A_745, %swap3A_746] {strides = array<i32>} : memref<32x128xf32, #tpu.memory_space<vmem>>, vector<16xf32>,
      tpu.vector_store %arg10[%swap3A_745, %swap3A_746], %add3A_740 {strides = array<i32>} : memref<32x128xf32, #tpu.memory_space<vmem>>, vector<16xf32>,
      %eq3A_748 = arith.cmpi eq, %get3A_184, %gather3A_99 : vector<16xi32>
      %select_n3A_749 = arith.select %eq3A_748, %get3A_296, %broadcast_in_dim3A_101 : vector<16xi1>, vector<16xf32>
      %add3A_750 = arith.addf %broadcast_in_dim3A_101, %select_n3A_749 : vector<16xf32>
      %eq3A_751 = arith.cmpi eq, %get3A_240, %gather3A_99 : vector<16xi32>
      %select_n3A_752 = arith.select %eq3A_751, %get3A_352, %broadcast_in_dim3A_101 : vector<16xi1>, vector<16xf32>
      %add3A_753 = arith.addf %add3A_750, %select_n3A_752 : vector<16xf32>
      %mul3A_754 = arith.constant 2 : i32
      %mul3A_755 = arith.muli %add3A_171, %mul3A_754 : i32
      %add3A_756 = arith.constant 1 : i32
      %add3A_757 = arith.addi %mul3A_755, %add3A_756 : i32
      %swap3A_758 = arith.index_cast %add3A_757 : i32 to index
      %swap3A_759 = arith.constant 16 : index
      %swap3A_760 = tpu.vector_load %arg10[%swap3A_758, %swap3A_759] {strides = array<i32>} : memref<32x128xf32, #tpu.memory_space<vmem>>, vector<16xf32>,
      tpu.vector_store %arg10[%swap3A_758, %swap3A_759], %add3A_753 {strides = array<i32>} : memref<32x128xf32, #tpu.memory_space<vmem>>, vector<16xf32>,
      %eq3A_761 = arith.cmpi eq, %get3A_191, %gather3A_99 : vector<16xi32>
      %select_n3A_762 = arith.select %eq3A_761, %get3A_303, %broadcast_in_dim3A_101 : vector<16xi1>, vector<16xf32>
      %add3A_763 = arith.addf %broadcast_in_dim3A_101, %select_n3A_762 : vector<16xf32>
      %eq3A_764 = arith.cmpi eq, %get3A_247, %gather3A_99 : vector<16xi32>
      %select_n3A_765 = arith.select %eq3A_764, %get3A_359, %broadcast_in_dim3A_101 : vector<16xi1>, vector<16xf32>
      %add3A_766 = arith.addf %add3A_763, %select_n3A_765 : vector<16xf32>
      %mul3A_767 = arith.constant 2 : i32
      %mul3A_768 = arith.muli %add3A_171, %mul3A_767 : i32
      %add3A_769 = arith.constant 1 : i32
      %add3A_770 = arith.addi %mul3A_768, %add3A_769 : i32
      %swap3A_771 = arith.index_cast %add3A_770 : i32 to index
      %swap3A_772 = arith.constant 32 : index
      %swap3A_773 = tpu.vector_load %arg10[%swap3A_771, %swap3A_772] {strides = array<i32>} : memref<32x128xf32, #tpu.memory_space<vmem>>, vector<16xf32>,
      tpu.vector_store %arg10[%swap3A_771, %swap3A_772], %add3A_766 {strides = array<i32>} : memref<32x128xf32, #tpu.memory_space<vmem>>, vector<16xf32>,
      %eq3A_774 = arith.cmpi eq, %get3A_198, %gather3A_99 : vector<16xi32>
      %select_n3A_775 = arith.select %eq3A_774, %get3A_310, %broadcast_in_dim3A_101 : vector<16xi1>, vector<16xf32>
      %add3A_776 = arith.addf %broadcast_in_dim3A_101, %select_n3A_775 : vector<16xf32>
      %eq3A_777 = arith.cmpi eq, %get3A_254, %gather3A_99 : vector<16xi32>
      %select_n3A_778 = arith.select %eq3A_777, %get3A_366, %broadcast_in_dim3A_101 : vector<16xi1>, vector<16xf32>
      %add3A_779 = arith.addf %add3A_776, %select_n3A_778 : vector<16xf32>
      %mul3A_780 = arith.constant 2 : i32
      %mul3A_781 = arith.muli %add3A_171, %mul3A_780 : i32
      %add3A_782 = arith.constant 1 : i32
      %add3A_783 = arith.addi %mul3A_781, %add3A_782 : i32
      %swap3A_784 = arith.index_cast %add3A_783 : i32 to index
      %swap3A_785 = arith.constant 48 : index
      %swap3A_786 = tpu.vector_load %arg10[%swap3A_784, %swap3A_785] {strides = array<i32>} : memref<32x128xf32, #tpu.memory_space<vmem>>, vector<16xf32>,
      tpu.vector_store %arg10[%swap3A_784, %swap3A_785], %add3A_779 {strides = array<i32>} : memref<32x128xf32, #tpu.memory_space<vmem>>, vector<16xf32>,
      %eq3A_787 = arith.cmpi eq, %get3A_205, %gather3A_99 : vector<16xi32>
      %select_n3A_788 = arith.select %eq3A_787, %get3A_317, %broadcast_in_dim3A_101 : vector<16xi1>, vector<16xf32>
      %add3A_789 = arith.addf %broadcast_in_dim3A_101, %select_n3A_788 : vector<16xf32>
      %eq3A_790 = arith.cmpi eq, %get3A_261, %gather3A_99 : vector<16xi32>
      %select_n3A_791 = arith.select %eq3A_790, %get3A_373, %broadcast_in_dim3A_101 : vector<16xi1>, vector<16xf32>
      %add3A_792 = arith.addf %add3A_789, %select_n3A_791 : vector<16xf32>
      %mul3A_793 = arith.constant 2 : i32
      %mul3A_794 = arith.muli %add3A_171, %mul3A_793 : i32
      %add3A_795 = arith.constant 1 : i32
      %add3A_796 = arith.addi %mul3A_794, %add3A_795 : i32
      %swap3A_797 = arith.index_cast %add3A_796 : i32 to index
      %swap3A_798 = arith.constant 64 : index
      %swap3A_799 = tpu.vector_load %arg10[%swap3A_797, %swap3A_798] {strides = array<i32>} : memref<32x128xf32, #tpu.memory_space<vmem>>, vector<16xf32>,
      tpu.vector_store %arg10[%swap3A_797, %swap3A_798], %add3A_792 {strides = array<i32>} : memref<32x128xf32, #tpu.memory_space<vmem>>, vector<16xf32>,
      %eq3A_800 = arith.cmpi eq, %get3A_212, %gather3A_99 : vector<16xi32>
      %select_n3A_801 = arith.select %eq3A_800, %get3A_324, %broadcast_in_dim3A_101 : vector<16xi1>, vector<16xf32>
      %add3A_802 = arith.addf %broadcast_in_dim3A_101, %select_n3A_801 : vector<16xf32>
      %eq3A_803 = arith.cmpi eq, %get3A_268, %gather3A_99 : vector<16xi32>
      %select_n3A_804 = arith.select %eq3A_803, %get3A_380, %broadcast_in_dim3A_101 : vector<16xi1>, vector<16xf32>
      %add3A_805 = arith.addf %add3A_802, %select_n3A_804 : vector<16xf32>
      %mul3A_806 = arith.constant 2 : i32
      %mul3A_807 = arith.muli %add3A_171, %mul3A_806 : i32
      %add3A_808 = arith.constant 1 : i32
      %add3A_809 = arith.addi %mul3A_807, %add3A_808 : i32
      %swap3A_810 = arith.index_cast %add3A_809 : i32 to index
      %swap3A_811 = arith.constant 80 : index
      %swap3A_812 = tpu.vector_load %arg10[%swap3A_810, %swap3A_811] {strides = array<i32>} : memref<32x128xf32, #tpu.memory_space<vmem>>, vector<16xf32>,
      tpu.vector_store %arg10[%swap3A_810, %swap3A_811], %add3A_805 {strides = array<i32>} : memref<32x128xf32, #tpu.memory_space<vmem>>, vector<16xf32>,
      %eq3A_813 = arith.cmpi eq, %get3A_219, %gather3A_99 : vector<16xi32>
      %select_n3A_814 = arith.select %eq3A_813, %get3A_331, %broadcast_in_dim3A_101 : vector<16xi1>, vector<16xf32>
      %add3A_815 = arith.addf %broadcast_in_dim3A_101, %select_n3A_814 : vector<16xf32>
      %eq3A_816 = arith.cmpi eq, %get3A_275, %gather3A_99 : vector<16xi32>
      %select_n3A_817 = arith.select %eq3A_816, %get3A_387, %broadcast_in_dim3A_101 : vector<16xi1>, vector<16xf32>
      %add3A_818 = arith.addf %add3A_815, %select_n3A_817 : vector<16xf32>
      %mul3A_819 = arith.constant 2 : i32
      %mul3A_820 = arith.muli %add3A_171, %mul3A_819 : i32
      %add3A_821 = arith.constant 1 : i32
      %add3A_822 = arith.addi %mul3A_820, %add3A_821 : i32
      %swap3A_823 = arith.index_cast %add3A_822 : i32 to index
      %swap3A_824 = arith.constant 96 : index
      %swap3A_825 = tpu.vector_load %arg10[%swap3A_823, %swap3A_824] {strides = array<i32>} : memref<32x128xf32, #tpu.memory_space<vmem>>, vector<16xf32>,
      tpu.vector_store %arg10[%swap3A_823, %swap3A_824], %add3A_818 {strides = array<i32>} : memref<32x128xf32, #tpu.memory_space<vmem>>, vector<16xf32>,
      %eq3A_826 = arith.cmpi eq, %get3A_226, %gather3A_99 : vector<16xi32>
      %select_n3A_827 = arith.select %eq3A_826, %get3A_338, %broadcast_in_dim3A_101 : vector<16xi1>, vector<16xf32>
      %add3A_828 = arith.addf %broadcast_in_dim3A_101, %select_n3A_827 : vector<16xf32>
      %eq3A_829 = arith.cmpi eq, %get3A_282, %gather3A_99 : vector<16xi32>
      %select_n3A_830 = arith.select %eq3A_829, %get3A_394, %broadcast_in_dim3A_101 : vector<16xi1>, vector<16xf32>
      %add3A_831 = arith.addf %add3A_828, %select_n3A_830 : vector<16xf32>
      %mul3A_832 = arith.constant 2 : i32
      %mul3A_833 = arith.muli %add3A_171, %mul3A_832 : i32
      %add3A_834 = arith.constant 1 : i32
      %add3A_835 = arith.addi %mul3A_833, %add3A_834 : i32
      %swap3A_836 = arith.index_cast %add3A_835 : i32 to index
      %swap3A_837 = arith.constant 112 : index
      %swap3A_838 = tpu.vector_load %arg10[%swap3A_836, %swap3A_837] {strides = array<i32>} : memref<32x128xf32, #tpu.memory_space<vmem>>, vector<16xf32>,
      tpu.vector_store %arg10[%swap3A_836, %swap3A_837], %add3A_831 {strides = array<i32>} : memref<32x128xf32, #tpu.memory_space<vmem>>, vector<16xf32>,
      %jit3A_839 = arith.constant 2 : i32
      %div3A_840 = arith.divsi %add3A_171, %jit3A_839 : i32
      %sign3A_841 = arith.constant 0 : i32
      %sign3A_842 = arith.cmpi sgt, %add3A_171, %sign3A_841 : i32
      %sign3A_843 = arith.extui %sign3A_842 : i1 to i32
      %sign3A_844 = arith.constant 0 : i32
      %sign3A_845 = arith.cmpi slt, %add3A_171, %sign3A_844 : i32
      %sign3A_846 = arith.extui %sign3A_845 : i1 to i32
      %sign3A_847 = arith.subi %sign3A_843, %sign3A_846 : i32
      %sign3A_848 = arith.constant 0 : i32
      %sign3A_849 = arith.cmpi sgt, %jit3A_839, %sign3A_848 : i32
      %sign3A_850 = arith.extui %sign3A_849 : i1 to i32
      %sign3A_851 = arith.constant 0 : i32
      %sign3A_852 = arith.cmpi slt, %jit3A_839, %sign3A_851 : i32
      %sign3A_853 = arith.extui %sign3A_852 : i1 to i32
      %sign3A_854 = arith.subi %sign3A_850, %sign3A_853 : i32
      %ne3A_855 = arith.cmpi ne, %sign3A_847, %sign3A_854 : i32
      %rem3A_856 = arith.remsi %add3A_171, %jit3A_839 : i32
      %ne3A_857 = arith.constant 0 : i32
      %ne3A_858 = arith.cmpi ne, %rem3A_856, %ne3A_857 : i32
      %and3A_859 = arith.andi %ne3A_855, %ne3A_858 : i1
      %sub3A_860 = arith.constant 1 : i32
      %sub3A_861 = arith.subi %div3A_840, %sub3A_860 : i32
      %select_n3A_862 = arith.select %and3A_859, %sub3A_861, %div3A_840 : i32
      %mul3A_863 = arith.constant 2 : i32
      %mul3A_864 = arith.muli %select_n3A_862, %mul3A_863 : i32
      %add3A_865 = arith.constant 1 : i32
      %add3A_866 = arith.addi %mul3A_864, %add3A_865 : i32
      %jit3A_867 = arith.constant 2 : i32
      %eq3A_868 = arith.constant 0 : i32
      %eq3A_869 = arith.cmpi eq, %jit3A_867, %eq3A_868 : i32
      %jit3A_870 = arith.constant 1 : i32
      %select_n3A_871 = arith.select %eq3A_869, %jit3A_870, %jit3A_867 : i32
      %rem3A_872 = arith.remsi %add3A_171, %select_n3A_871 : i32
      %ne3A_873 = arith.constant 0 : i32
      %ne3A_874 = arith.cmpi ne, %rem3A_872, %ne3A_873 : i32
      %lt3A_875 = arith.constant 0 : i32
      %lt3A_876 = arith.cmpi slt, %rem3A_872, %lt3A_875 : i32
      %lt3A_877 = arith.constant 0 : i32
      %lt3A_878 = arith.cmpi slt, %select_n3A_871, %lt3A_877 : i32
      %ne3A_879 = arith.xori %lt3A_876, %lt3A_878 : i1
      %and3A_880 = arith.andi %ne3A_879, %ne3A_874 : i1
      %add3A_881 = arith.addi %rem3A_872, %select_n3A_871 : i32
      %select_n3A_882 = arith.select %and3A_880, %add3A_881, %rem3A_872 : i32
      %mul3A_883 = arith.constant 64 : i32
      %mul3A_884 = arith.muli %select_n3A_882, %mul3A_883 : i32
      %lt3A_885 = arith.constant 0 : i32
      %lt3A_886 = vector.broadcast %lt3A_885 : i32 to vector<16xi32>
      %lt3A_887 = arith.cmpi slt, %xor3A_112, %lt3A_886 : vector<16xi32>
      %add3A_888 = arith.constant 16 : i32
      %add3A_889 = vector.broadcast %add3A_888 : i32 to vector<16xi32>
      %add3A_890 = arith.addi %xor3A_112, %add3A_889 : vector<16xi32>
      %select_n3A_891 = arith.select %lt3A_887, %add3A_890, %xor3A_112 : vector<16xi1>, vector<16xi32>
      %broadcast_in_dim3A_892 = vector.shape_cast %select_n3A_891 : vector<16xi32> to vector<16x1xi32>
      %gather3A_893 = vector.shape_cast %broadcast_in_dim3A_892 : vector<16x1xi32> to vector<16xi32>
      %gather3A_894 = tpu.dynamic_gather %add3A_740[%gather3A_893] in [0] : vector<16xf32>, vector<16xi32> -> vector<16xf32>
      %max3A_895 = arith.maximumf %add3A_740, %gather3A_894 : vector<16xf32>
      %lt3A_896 = arith.constant 0 : i32
      %lt3A_897 = vector.broadcast %lt3A_896 : i32 to vector<16xi32>
      %lt3A_898 = arith.cmpi slt, %xor3A_112, %lt3A_897 : vector<16xi32>
      %add3A_899 = arith.constant 16 : i32
      %add3A_900 = vector.broadcast %add3A_899 : i32 to vector<16xi32>
      %add3A_901 = arith.addi %xor3A_112, %add3A_900 : vector<16xi32>
      %select_n3A_902 = arith.select %lt3A_898, %add3A_901, %xor3A_112 : vector<16xi1>, vector<16xi32>
      %broadcast_in_dim3A_903 = vector.shape_cast %select_n3A_902 : vector<16xi32> to vector<16x1xi32>
      %gather3A_904 = vector.shape_cast %broadcast_in_dim3A_903 : vector<16x1xi32> to vector<16xi32>
      %gather3A_905 = tpu.dynamic_gather %add3A_753[%gather3A_904] in [0] : vector<16xf32>, vector<16xi32> -> vector<16xf32>
      %max3A_906 = arith.maximumf %add3A_753, %gather3A_905 : vector<16xf32>
      %lt3A_907 = arith.constant 0 : i32
      %lt3A_908 = vector.broadcast %lt3A_907 : i32 to vector<16xi32>
      %lt3A_909 = arith.cmpi slt, %and3A_107, %lt3A_908 : vector<16xi32>
      %add3A_910 = arith.constant 16 : i32
      %add3A_911 = vector.broadcast %add3A_910 : i32 to vector<16xi32>
      %add3A_912 = arith.addi %and3A_107, %add3A_911 : vector<16xi32>
      %select_n3A_913 = arith.select %lt3A_909, %add3A_912, %and3A_107 : vector<16xi1>, vector<16xi32>
      %broadcast_in_dim3A_914 = vector.shape_cast %select_n3A_913 : vector<16xi32> to vector<16x1xi32>
      %gather3A_915 = vector.shape_cast %broadcast_in_dim3A_914 : vector<16x1xi32> to vector<16xi32>
      %gather3A_916 = tpu.dynamic_gather %max3A_895[%gather3A_915] in [0] : vector<16xf32>, vector<16xi32> -> vector<16xf32>
      %lt3A_917 = arith.constant 0 : i32
      %lt3A_918 = vector.broadcast %lt3A_917 : i32 to vector<16xi32>
      %lt3A_919 = arith.cmpi slt, %and3A_107, %lt3A_918 : vector<16xi32>
      %add3A_920 = arith.constant 16 : i32
      %add3A_921 = vector.broadcast %add3A_920 : i32 to vector<16xi32>
      %add3A_922 = arith.addi %and3A_107, %add3A_921 : vector<16xi32>
      %select_n3A_923 = arith.select %lt3A_919, %add3A_922, %and3A_107 : vector<16xi1>, vector<16xi32>
      %broadcast_in_dim3A_924 = vector.shape_cast %select_n3A_923 : vector<16xi32> to vector<16x1xi32>
      %gather3A_925 = vector.shape_cast %broadcast_in_dim3A_924 : vector<16x1xi32> to vector<16xi32>
      %gather3A_926 = tpu.dynamic_gather %max3A_906[%gather3A_925] in [0] : vector<16xf32>, vector<16xi32> -> vector<16xf32>
      %select_n3A_927 = arith.select %lt3A_110, %gather3A_916, %gather3A_926 : vector<16xi1>, vector<16xf32>
      %add3A_928 = arith.constant 0 : i32
      %add3A_929 = arith.addi %mul3A_884, %add3A_928 : i32
      %swap3A_930 = arith.index_cast %add3A_866 : i32 to index
      %swap3A_931 = arith.index_cast %add3A_929 : i32 to index
      %swap3A_932 = tpu.vector_load %arg11[%swap3A_930, %swap3A_931] {strides = array<i32>} : memref<16x128xf32, #tpu.memory_space<vmem>>, vector<16xf32>,
      tpu.vector_store %arg11[%swap3A_930, %swap3A_931], %select_n3A_927 {strides = array<i32>} : memref<16x128xf32, #tpu.memory_space<vmem>>, vector<16xf32>,
      %lt3A_933 = arith.constant 0 : i32
      %lt3A_934 = vector.broadcast %lt3A_933 : i32 to vector<16xi32>
      %lt3A_935 = arith.cmpi slt, %xor3A_112, %lt3A_934 : vector<16xi32>
      %add3A_936 = arith.constant 16 : i32
      %add3A_937 = vector.broadcast %add3A_936 : i32 to vector<16xi32>
      %add3A_938 = arith.addi %xor3A_112, %add3A_937 : vector<16xi32>
      %select_n3A_939 = arith.select %lt3A_935, %add3A_938, %xor3A_112 : vector<16xi1>, vector<16xi32>
      %broadcast_in_dim3A_940 = vector.shape_cast %select_n3A_939 : vector<16xi32> to vector<16x1xi32>
      %gather3A_941 = vector.shape_cast %broadcast_in_dim3A_940 : vector<16x1xi32> to vector<16xi32>
      %gather3A_942 = tpu.dynamic_gather %add3A_766[%gather3A_941] in [0] : vector<16xf32>, vector<16xi32> -> vector<16xf32>
      %max3A_943 = arith.maximumf %add3A_766, %gather3A_942 : vector<16xf32>
      %lt3A_944 = arith.constant 0 : i32
      %lt3A_945 = vector.broadcast %lt3A_944 : i32 to vector<16xi32>
      %lt3A_946 = arith.cmpi slt, %xor3A_112, %lt3A_945 : vector<16xi32>
      %add3A_947 = arith.constant 16 : i32
      %add3A_948 = vector.broadcast %add3A_947 : i32 to vector<16xi32>
      %add3A_949 = arith.addi %xor3A_112, %add3A_948 : vector<16xi32>
      %select_n3A_950 = arith.select %lt3A_946, %add3A_949, %xor3A_112 : vector<16xi1>, vector<16xi32>
      %broadcast_in_dim3A_951 = vector.shape_cast %select_n3A_950 : vector<16xi32> to vector<16x1xi32>
      %gather3A_952 = vector.shape_cast %broadcast_in_dim3A_951 : vector<16x1xi32> to vector<16xi32>
      %gather3A_953 = tpu.dynamic_gather %add3A_779[%gather3A_952] in [0] : vector<16xf32>, vector<16xi32> -> vector<16xf32>
      %max3A_954 = arith.maximumf %add3A_779, %gather3A_953 : vector<16xf32>
      %lt3A_955 = arith.constant 0 : i32
      %lt3A_956 = vector.broadcast %lt3A_955 : i32 to vector<16xi32>
      %lt3A_957 = arith.cmpi slt, %and3A_107, %lt3A_956 : vector<16xi32>
      %add3A_958 = arith.constant 16 : i32
      %add3A_959 = vector.broadcast %add3A_958 : i32 to vector<16xi32>
      %add3A_960 = arith.addi %and3A_107, %add3A_959 : vector<16xi32>
      %select_n3A_961 = arith.select %lt3A_957, %add3A_960, %and3A_107 : vector<16xi1>, vector<16xi32>
      %broadcast_in_dim3A_962 = vector.shape_cast %select_n3A_961 : vector<16xi32> to vector<16x1xi32>
      %gather3A_963 = vector.shape_cast %broadcast_in_dim3A_962 : vector<16x1xi32> to vector<16xi32>
      %gather3A_964 = tpu.dynamic_gather %max3A_943[%gather3A_963] in [0] : vector<16xf32>, vector<16xi32> -> vector<16xf32>
      %lt3A_965 = arith.constant 0 : i32
      %lt3A_966 = vector.broadcast %lt3A_965 : i32 to vector<16xi32>
      %lt3A_967 = arith.cmpi slt, %and3A_107, %lt3A_966 : vector<16xi32>
      %add3A_968 = arith.constant 16 : i32
      %add3A_969 = vector.broadcast %add3A_968 : i32 to vector<16xi32>
      %add3A_970 = arith.addi %and3A_107, %add3A_969 : vector<16xi32>
      %select_n3A_971 = arith.select %lt3A_967, %add3A_970, %and3A_107 : vector<16xi1>, vector<16xi32>
      %broadcast_in_dim3A_972 = vector.shape_cast %select_n3A_971 : vector<16xi32> to vector<16x1xi32>
      %gather3A_973 = vector.shape_cast %broadcast_in_dim3A_972 : vector<16x1xi32> to vector<16xi32>
      %gather3A_974 = tpu.dynamic_gather %max3A_954[%gather3A_973] in [0] : vector<16xf32>, vector<16xi32> -> vector<16xf32>
      %select_n3A_975 = arith.select %lt3A_110, %gather3A_964, %gather3A_974 : vector<16xi1>, vector<16xf32>
      %add3A_976 = arith.constant 16 : i32
      %add3A_977 = arith.addi %mul3A_884, %add3A_976 : i32
      %swap3A_978 = arith.index_cast %add3A_866 : i32 to index
      %swap3A_979 = arith.index_cast %add3A_977 : i32 to index
      %swap3A_980 = tpu.vector_load %arg11[%swap3A_978, %swap3A_979] {strides = array<i32>} : memref<16x128xf32, #tpu.memory_space<vmem>>, vector<16xf32>,
      tpu.vector_store %arg11[%swap3A_978, %swap3A_979], %select_n3A_975 {strides = array<i32>} : memref<16x128xf32, #tpu.memory_space<vmem>>, vector<16xf32>,
      %lt3A_981 = arith.constant 0 : i32
      %lt3A_982 = vector.broadcast %lt3A_981 : i32 to vector<16xi32>
      %lt3A_983 = arith.cmpi slt, %xor3A_112, %lt3A_982 : vector<16xi32>
      %add3A_984 = arith.constant 16 : i32
      %add3A_985 = vector.broadcast %add3A_984 : i32 to vector<16xi32>
      %add3A_986 = arith.addi %xor3A_112, %add3A_985 : vector<16xi32>
      %select_n3A_987 = arith.select %lt3A_983, %add3A_986, %xor3A_112 : vector<16xi1>, vector<16xi32>
      %broadcast_in_dim3A_988 = vector.shape_cast %select_n3A_987 : vector<16xi32> to vector<16x1xi32>
      %gather3A_989 = vector.shape_cast %broadcast_in_dim3A_988 : vector<16x1xi32> to vector<16xi32>
      %gather3A_990 = tpu.dynamic_gather %add3A_792[%gather3A_989] in [0] : vector<16xf32>, vector<16xi32> -> vector<16xf32>
      %max3A_991 = arith.maximumf %add3A_792, %gather3A_990 : vector<16xf32>
      %lt3A_992 = arith.constant 0 : i32
      %lt3A_993 = vector.broadcast %lt3A_992 : i32 to vector<16xi32>
      %lt3A_994 = arith.cmpi slt, %xor3A_112, %lt3A_993 : vector<16xi32>
      %add3A_995 = arith.constant 16 : i32
      %add3A_996 = vector.broadcast %add3A_995 : i32 to vector<16xi32>
      %add3A_997 = arith.addi %xor3A_112, %add3A_996 : vector<16xi32>
      %select_n3A_998 = arith.select %lt3A_994, %add3A_997, %xor3A_112 : vector<16xi1>, vector<16xi32>
      %broadcast_in_dim3A_999 = vector.shape_cast %select_n3A_998 : vector<16xi32> to vector<16x1xi32>
      %gather3A_1000 = vector.shape_cast %broadcast_in_dim3A_999 : vector<16x1xi32> to vector<16xi32>
      %gather3A_1001 = tpu.dynamic_gather %add3A_805[%gather3A_1000] in [0] : vector<16xf32>, vector<16xi32> -> vector<16xf32>
      %max3A_1002 = arith.maximumf %add3A_805, %gather3A_1001 : vector<16xf32>
      %lt3A_1003 = arith.constant 0 : i32
      %lt3A_1004 = vector.broadcast %lt3A_1003 : i32 to vector<16xi32>
      %lt3A_1005 = arith.cmpi slt, %and3A_107, %lt3A_1004 : vector<16xi32>
      %add3A_1006 = arith.constant 16 : i32
      %add3A_1007 = vector.broadcast %add3A_1006 : i32 to vector<16xi32>
      %add3A_1008 = arith.addi %and3A_107, %add3A_1007 : vector<16xi32>
      %select_n3A_1009 = arith.select %lt3A_1005, %add3A_1008, %and3A_107 : vector<16xi1>, vector<16xi32>
      %broadcast_in_dim3A_1010 = vector.shape_cast %select_n3A_1009 : vector<16xi32> to vector<16x1xi32>
      %gather3A_1011 = vector.shape_cast %broadcast_in_dim3A_1010 : vector<16x1xi32> to vector<16xi32>
      %gather3A_1012 = tpu.dynamic_gather %max3A_991[%gather3A_1011] in [0] : vector<16xf32>, vector<16xi32> -> vector<16xf32>
      %lt3A_1013 = arith.constant 0 : i32
      %lt3A_1014 = vector.broadcast %lt3A_1013 : i32 to vector<16xi32>
      %lt3A_1015 = arith.cmpi slt, %and3A_107, %lt3A_1014 : vector<16xi32>
      %add3A_1016 = arith.constant 16 : i32
      %add3A_1017 = vector.broadcast %add3A_1016 : i32 to vector<16xi32>
      %add3A_1018 = arith.addi %and3A_107, %add3A_1017 : vector<16xi32>
      %select_n3A_1019 = arith.select %lt3A_1015, %add3A_1018, %and3A_107 : vector<16xi1>, vector<16xi32>
      %broadcast_in_dim3A_1020 = vector.shape_cast %select_n3A_1019 : vector<16xi32> to vector<16x1xi32>
      %gather3A_1021 = vector.shape_cast %broadcast_in_dim3A_1020 : vector<16x1xi32> to vector<16xi32>
      %gather3A_1022 = tpu.dynamic_gather %max3A_1002[%gather3A_1021] in [0] : vector<16xf32>, vector<16xi32> -> vector<16xf32>
      %select_n3A_1023 = arith.select %lt3A_110, %gather3A_1012, %gather3A_1022 : vector<16xi1>, vector<16xf32>
      %add3A_1024 = arith.constant 32 : i32
      %add3A_1025 = arith.addi %mul3A_884, %add3A_1024 : i32
      %swap3A_1026 = arith.index_cast %add3A_866 : i32 to index
      %swap3A_1027 = arith.index_cast %add3A_1025 : i32 to index
      %swap3A_1028 = tpu.vector_load %arg11[%swap3A_1026, %swap3A_1027] {strides = array<i32>} : memref<16x128xf32, #tpu.memory_space<vmem>>, vector<16xf32>,
      tpu.vector_store %arg11[%swap3A_1026, %swap3A_1027], %select_n3A_1023 {strides = array<i32>} : memref<16x128xf32, #tpu.memory_space<vmem>>, vector<16xf32>,
      %lt3A_1029 = arith.constant 0 : i32
      %lt3A_1030 = vector.broadcast %lt3A_1029 : i32 to vector<16xi32>
      %lt3A_1031 = arith.cmpi slt, %xor3A_112, %lt3A_1030 : vector<16xi32>
      %add3A_1032 = arith.constant 16 : i32
      %add3A_1033 = vector.broadcast %add3A_1032 : i32 to vector<16xi32>
      %add3A_1034 = arith.addi %xor3A_112, %add3A_1033 : vector<16xi32>
      %select_n3A_1035 = arith.select %lt3A_1031, %add3A_1034, %xor3A_112 : vector<16xi1>, vector<16xi32>
      %broadcast_in_dim3A_1036 = vector.shape_cast %select_n3A_1035 : vector<16xi32> to vector<16x1xi32>
      %gather3A_1037 = vector.shape_cast %broadcast_in_dim3A_1036 : vector<16x1xi32> to vector<16xi32>
      %gather3A_1038 = tpu.dynamic_gather %add3A_818[%gather3A_1037] in [0] : vector<16xf32>, vector<16xi32> -> vector<16xf32>
      %max3A_1039 = arith.maximumf %add3A_818, %gather3A_1038 : vector<16xf32>
      %lt3A_1040 = arith.constant 0 : i32
      %lt3A_1041 = vector.broadcast %lt3A_1040 : i32 to vector<16xi32>
      %lt3A_1042 = arith.cmpi slt, %xor3A_112, %lt3A_1041 : vector<16xi32>
      %add3A_1043 = arith.constant 16 : i32
      %add3A_1044 = vector.broadcast %add3A_1043 : i32 to vector<16xi32>
      %add3A_1045 = arith.addi %xor3A_112, %add3A_1044 : vector<16xi32>
      %select_n3A_1046 = arith.select %lt3A_1042, %add3A_1045, %xor3A_112 : vector<16xi1>, vector<16xi32>
      %broadcast_in_dim3A_1047 = vector.shape_cast %select_n3A_1046 : vector<16xi32> to vector<16x1xi32>
      %gather3A_1048 = vector.shape_cast %broadcast_in_dim3A_1047 : vector<16x1xi32> to vector<16xi32>
      %gather3A_1049 = tpu.dynamic_gather %add3A_831[%gather3A_1048] in [0] : vector<16xf32>, vector<16xi32> -> vector<16xf32>
      %max3A_1050 = arith.maximumf %add3A_831, %gather3A_1049 : vector<16xf32>
      %lt3A_1051 = arith.constant 0 : i32
      %lt3A_1052 = vector.broadcast %lt3A_1051 : i32 to vector<16xi32>
      %lt3A_1053 = arith.cmpi slt, %and3A_107, %lt3A_1052 : vector<16xi32>
      %add3A_1054 = arith.constant 16 : i32
      %add3A_1055 = vector.broadcast %add3A_1054 : i32 to vector<16xi32>
      %add3A_1056 = arith.addi %and3A_107, %add3A_1055 : vector<16xi32>
      %select_n3A_1057 = arith.select %lt3A_1053, %add3A_1056, %and3A_107 : vector<16xi1>, vector<16xi32>
      %broadcast_in_dim3A_1058 = vector.shape_cast %select_n3A_1057 : vector<16xi32> to vector<16x1xi32>
      %gather3A_1059 = vector.shape_cast %broadcast_in_dim3A_1058 : vector<16x1xi32> to vector<16xi32>
      %gather3A_1060 = tpu.dynamic_gather %max3A_1039[%gather3A_1059] in [0] : vector<16xf32>, vector<16xi32> -> vector<16xf32>
      %lt3A_1061 = arith.constant 0 : i32
      %lt3A_1062 = vector.broadcast %lt3A_1061 : i32 to vector<16xi32>
      %lt3A_1063 = arith.cmpi slt, %and3A_107, %lt3A_1062 : vector<16xi32>
      %add3A_1064 = arith.constant 16 : i32
      %add3A_1065 = vector.broadcast %add3A_1064 : i32 to vector<16xi32>
      %add3A_1066 = arith.addi %and3A_107, %add3A_1065 : vector<16xi32>
      %select_n3A_1067 = arith.select %lt3A_1063, %add3A_1066, %and3A_107 : vector<16xi1>, vector<16xi32>
      %broadcast_in_dim3A_1068 = vector.shape_cast %select_n3A_1067 : vector<16xi32> to vector<16x1xi32>
      %gather3A_1069 = vector.shape_cast %broadcast_in_dim3A_1068 : vector<16x1xi32> to vector<16xi32>
      %gather3A_1070 = tpu.dynamic_gather %max3A_1050[%gather3A_1069] in [0] : vector<16xf32>, vector<16xi32> -> vector<16xf32>
      %select_n3A_1071 = arith.select %lt3A_110, %gather3A_1060, %gather3A_1070 : vector<16xi1>, vector<16xf32>
      %add3A_1072 = arith.constant 48 : i32
      %add3A_1073 = arith.addi %mul3A_884, %add3A_1072 : i32
      %swap3A_1074 = arith.index_cast %add3A_866 : i32 to index
      %swap3A_1075 = arith.index_cast %add3A_1073 : i32 to index
      %swap3A_1076 = tpu.vector_load %arg11[%swap3A_1074, %swap3A_1075] {strides = array<i32>} : memref<16x128xf32, #tpu.memory_space<vmem>>, vector<16xf32>,
      tpu.vector_store %arg11[%swap3A_1074, %swap3A_1075], %select_n3A_1071 {strides = array<i32>} : memref<16x128xf32, #tpu.memory_space<vmem>>, vector<16xf32>,
    }
    %scan3A_128 = arith.constant 16 : i32
    %mul3A_129 = arith.constant 2 : i32
    %mul3A_130 = arith.muli %select_n3A, %mul3A_129 : i32
    %add3A_131 = arith.addi %mul3A_130, %select_n3A_54 : i32
    %mul3A_132 = arith.constant 16 : i32
    %mul3A_133 = arith.muli %select_n3A_70, %mul3A_132 : i32
    %mul3A_134 = arith.constant 2 : i32
    %mul3A_135 = arith.muli %mul3A_133, %mul3A_134 : i32
    %mul3A_136 = arith.constant 2 : i32
    %mul3A_137 = arith.muli %select_n3A, %mul3A_136 : i32
    %add3A_138 = arith.addi %mul3A_137, %select_n3A_54 : i32
    %mul3A_139 = arith.constant 8 : i32
    %mul3A_140 = arith.muli %select_n3A_70, %mul3A_139 : i32
    %mul3A_141 = arith.constant 2 : i32
    %mul3A_142 = arith.muli %mul3A_140, %mul3A_141 : i32
    %dma_start3A_143 = arith.constant 0 : i32
    %dma_start3A_144 = tpu.memref_slice %arg5[%add3A_131, %mul3A_135, %dma_start3A_143] : memref<16x64x128xf32, #tpu.memory_space<hbm>> -> memref<1x32x128xf32, #tpu.memory_space<hbm>>
    %dma_start3A_145 = tpu.memref_squeeze %dma_start3A_144 : memref<1x32x128xf32, #tpu.memory_space<hbm>> -> memref<32x128xf32, #tpu.memory_space<hbm>>
    %dma_start3A_146 = arith.constant 0 : i32
    %dma_start3A_147 = tpu.memref_slice %arg5[%add3A_131, %mul3A_135, %dma_start3A_146] : memref<16x64x128xf32, #tpu.memory_space<hbm>> -> memref<1x32x128xf32, #tpu.memory_space<hbm>>
    %dma_start3A_148 = tpu.memref_squeeze %dma_start3A_147 : memref<1x32x128xf32, #tpu.memory_space<hbm>> -> memref<32x128xf32, #tpu.memory_space<hbm>>
    tpu.enqueue_dma source(%arg10 : memref<32x128xf32, #tpu.memory_space<vmem>>) target(%dma_start3A_148 : memref<32x128xf32, #tpu.memory_space<hbm>>) target_semaphore(%arg13 : memref<!tpu.dma_semaphore, #tpu.memory_space<semaphore_mem>>)
    %dma_start3A_149 = arith.constant 0 : i32
    %dma_start3A_150 = tpu.memref_slice %arg6[%add3A_138, %mul3A_142, %dma_start3A_149] : memref<16x32x128xf32, #tpu.memory_space<hbm>> -> memref<1x16x128xf32, #tpu.memory_space<hbm>>
    %dma_start3A_151 = tpu.memref_squeeze %dma_start3A_150 : memref<1x16x128xf32, #tpu.memory_space<hbm>> -> memref<16x128xf32, #tpu.memory_space<hbm>>
    %dma_start3A_152 = arith.constant 0 : i32
    %dma_start3A_153 = tpu.memref_slice %arg6[%add3A_138, %mul3A_142, %dma_start3A_152] : memref<16x32x128xf32, #tpu.memory_space<hbm>> -> memref<1x16x128xf32, #tpu.memory_space<hbm>>
    %dma_start3A_154 = tpu.memref_squeeze %dma_start3A_153 : memref<1x16x128xf32, #tpu.memory_space<hbm>> -> memref<16x128xf32, #tpu.memory_space<hbm>>
    tpu.enqueue_dma source(%arg11 : memref<16x128xf32, #tpu.memory_space<vmem>>) target(%dma_start3A_154 : memref<16x128xf32, #tpu.memory_space<hbm>>) target_semaphore(%arg13 : memref<!tpu.dma_semaphore, #tpu.memory_space<semaphore_mem>>)
    %dma_wait3A_155 = arith.constant 0 : i32
    %dma_wait3A_156 = tpu.memref_slice %arg5[%add3A_131, %mul3A_135, %dma_wait3A_155] : memref<16x64x128xf32, #tpu.memory_space<hbm>> -> memref<1x32x128xf32, #tpu.memory_space<hbm>>
    %dma_wait3A_157 = tpu.memref_squeeze %dma_wait3A_156 : memref<1x32x128xf32, #tpu.memory_space<hbm>> -> memref<32x128xf32, #tpu.memory_space<hbm>>
    %dma_wait3A_158 = arith.constant 0 : i32
    %dma_wait3A_159 = tpu.memref_slice %arg5[%add3A_131, %mul3A_135, %dma_wait3A_158] : memref<16x64x128xf32, #tpu.memory_space<hbm>> -> memref<1x32x128xf32, #tpu.memory_space<hbm>>
    %dma_wait3A_160 = tpu.memref_squeeze %dma_wait3A_159 : memref<1x32x128xf32, #tpu.memory_space<hbm>> -> memref<32x128xf32, #tpu.memory_space<hbm>>
    tpu.wait_dma2 semaphore(%arg13 : memref<!tpu.dma_semaphore, #tpu.memory_space<semaphore_mem>>) src(%arg10 : memref<32x128xf32, #tpu.memory_space<vmem>>) dst(%dma_wait3A_160 : memref<32x128xf32, #tpu.memory_space<hbm>>)
    %dma_wait3A_161 = arith.constant 0 : i32
    %dma_wait3A_162 = tpu.memref_slice %arg6[%add3A_138, %mul3A_142, %dma_wait3A_161] : memref<16x32x128xf32, #tpu.memory_space<hbm>> -> memref<1x16x128xf32, #tpu.memory_space<hbm>>
    %dma_wait3A_163 = tpu.memref_squeeze %dma_wait3A_162 : memref<1x16x128xf32, #tpu.memory_space<hbm>> -> memref<16x128xf32, #tpu.memory_space<hbm>>
    %dma_wait3A_164 = arith.constant 0 : i32
    %dma_wait3A_165 = tpu.memref_slice %arg6[%add3A_138, %mul3A_142, %dma_wait3A_164] : memref<16x32x128xf32, #tpu.memory_space<hbm>> -> memref<1x16x128xf32, #tpu.memory_space<hbm>>
    %dma_wait3A_166 = tpu.memref_squeeze %dma_wait3A_165 : memref<1x16x128xf32, #tpu.memory_space<hbm>> -> memref<16x128xf32, #tpu.memory_space<hbm>>
    tpu.wait_dma2 semaphore(%arg13 : memref<!tpu.dma_semaphore, #tpu.memory_space<semaphore_mem>>) src(%arg11 : memref<16x128xf32, #tpu.memory_space<vmem>>) dst(%dma_wait3A_166 : memref<16x128xf32, #tpu.memory_space<hbm>>)
    return
  }
}

</mosaic_0001>

<sc_bundles>
// kernel: kernel.3.cloned.1.call-start
scs
__scs_entry_jumppad:
0x0: {  	(pc) =	sbr.rel $0x88, $3  }
0x1: {  	(tag) =	ssettag $0x0;
	lr =	simm.s32 $0x1  }
0x2: {  	[smem:$0x3F9E] =	sst lr;
	_ =	strace $0xD0000000  }
0x3: {  	_ = 	snop  }
0x4: {  	_ = 	snop  }
0x5: {  	_ = 	snop  }
0x6: {  	_ = 	snop  }
0x7: {  	_ = 	snop  }
__scs_overlays_trampoline_lowered:
0x8: {  	[smem:$0x3FAD] =	sst s0  }
0x9: {  	[smem:$0x3FAE] =	sst s1  }
0xa: {  	[smem:$0x3FAF] =	sst s2  }
0xb: {  	[smem:$0x3FB0] =	sst s3  }
0xc: {  	[smem:$0x3FB1] =	sst s4  }
0xd: {  	[smem:$0x3FB2] =	sst s5  }
0xe: {  	[smem:$0x3FB3] =	sst s6  }
0xf: {  	[smem:$0x3FB4] =	sst s7  }
0x10: {  	[smem:$0x3FB5] =	sst s8  }
0x11: {  	[smem:$0x3FB6] =	sst s9;
	s0 =	simm.s32 @!p0 $0x0  }
0x12: {  	s1 =	sld [smem:$0x3F9C];
	s0 =	simm.s32 @p0 $0x1  }
0x13: {  	[smem:$0x3FB7] =	sst s0;
	s0 =	simm.s32 @!p1 $0x0  }
0x14: {  	s2 =	sld [smem:$0x3F9B];
	s0 =	simm.s32 @p1 $0x1  }
0x15: {  	[smem:$0x3FB8] =	sst s0;
	s0 =	simm.s32 @!p2 $0x0  }
0x16: {  	s3 =	sld [smem:$0x3FDB];
	s0 =	simm.s32 @p2 $0x1  }
0x17: {  	s4 =	simm.s32 $0x1BF5;
	[smem:$0x3FBA] =	sst s0  }
0x18: {  	s0 =	sld [smem:$0x3F9D];
	_ =	swait.ge [sflag:s4], $0x0  }
0x19: {  	s7 =	sld [smem:$0x3F9E]  }
0x1a: {  	s8 =	sadd.s32 $0xFFFFE003, lr  }
0x1b: {  	s9 =	sadd.s32 $0xFFFFFEF7, lr;
	s5 =	simm.s32 $0xFFFFFFFF;
	p2 =	slt.u32 s8, $0xFFFFF086  }
0x1c: {  	p1 =	slt.u32 s9, $0xF7A;
	s5 =	simm.s32 @!p2 $0x0  }
0x1d: {  	s5 =	simm.s32 @p1 $0x1;
	p0 =	seq.s32 s7, s2  }
0x1e: {  	s7 =	smul.u32 @!p0 $0xF7A, s2;
	p2 =	seq.s32 @!p0 s5, $0x0  }
0x1f: {  	s9 =	smul.u32 $0xF7A, s1;
	s8 =	simm.s32 @!p0 $0x1BF5;
	p2 =	por !p2, p0  }
0x20: {  	[sflag:s8] =	ssyncset.s32 @!p0 $0xFFFFF086;
	s6 =	sadd.s32 @!p0 s3, s7;
	s7 =	simm.s32 @!p0 $0x108  }
0x21: {  	s3 =	sadd.s32 s3, s9;
	s6 =	sadd.s32 @!p0 $0x88, s6;
	s7 =	simm.s32 @p2 $0x1082  }
0x22: {  	[simem:s7], [sflag:s8] =	dma.local @!p0 [hbm:s6], $0xF7A  }
0x23: {  	s9 =	sor.u32 $0xD0000000, s2;
	s6 =	simm.s32 $0x108;
	_ =	swait.ge @!p0 [sflag:s8], $0x0  }
0x24: {  	s3 =	sadd.s32 $0x88, s3;
	s6 =	simm.s32 @!p1 $0x1082;
	[sflag:s4] =	ssyncset.s32 $0xFFFFF086  }
0x25: {  	[simem:s6], [sflag:s4] =	dma.local [hbm:s3], $0xF7A  }
0x26: {  	[smem:$0x3F9E] =	sst s1;
	(tag) =	ssettag s2;
	_ =	strace s9  }
0x27: {  	s1 =	sld [smem:$0x3FAE]  }
0x28: {  	s2 =	sld [smem:$0x3FAF]  }
0x29: {  	s4 =	sld [smem:$0x3FB1]  }
0x2a: {  	p0 =	seq.s32 s5, $0x0;
	s5 =	sld [smem:$0x3FB2]  }
0x2b: {  	s6 =	sld [smem:$0x3FB3]  }
0x2c: {  	s7 =	sld [smem:$0x3FB4]  }
0x2d: {  	s3 =	simm.s32 $0x108;
	s8 =	sld [smem:$0x3FB5]  }
0x2e: {  	s3 =	simm.s32 @!p0 $0x1082;
	s9 =	sld [smem:$0x3FB6]  }
0x2f: {  	lr =	sadd.s32 s0, s3;
	s0 =	sld [smem:$0x3FAD]  }
0x30: {  	s3 =	sld [smem:$0x3FB0]  }
0x31: {  	[smem:$0x3FB9] =	sst s10  }
0x32: {  	s10 =	sld [smem:$0x3FB7];
	_ =	sdelay $0x3  }
0x33: {  	p0 =	seq.s32 s10, $0x1;
	s10 =	sld [smem:$0x3FB9];
	_ =	sdelay $0x3  }
0x34: {  	[smem:$0x3FB9] =	sst s10  }
0x35: {  	s10 =	sld [smem:$0x3FB8];
	_ =	sdelay $0x3  }
0x36: {  	p1 =	seq.s32 s10, $0x1;
	s10 =	sld [smem:$0x3FB9];
	_ =	sdelay $0x3  }
0x37: {  	[smem:$0x3FB9] =	sst s10  }
0x38: {  	s10 =	sld [smem:$0x3FBA]  }
0x39: {  	_ = 	snop;
	(pc) =	sbr.ind lr, $3  }
0x3a: {  	_ = 	snop  }
0x3b: {  	_ = 	snop  }
0x3c: {  	p2 =	seq.s32 s10, $0x1;
	s10 =	sld [smem:$0x3FB9]  }
0x3d: {  	_ =	shalt  }
0x3e: {  	_ =	shalt  }
0x3f: {  	_ =	shalt  }
0x40: {  	_ =	shalt  }
0x41: {  	_ =	shalt  }
0x42: {  	_ =	shalt  }
0x43: {  	_ =	shalt  }
0x44: {  	_ =	shalt  }
0x45: {  	_ =	shalt  }
0x46: {  	_ =	shalt  }
0x47: {  	_ =	shalt  }
0x48: {  	_ =	shalt  }
0x49: {  	_ =	shalt  }
0x4a: {  	_ =	shalt  }
0x4b: {  	_ =	shalt  }
0x4c: {  	_ =	shalt  }
0x4d: {  	_ =	shalt  }
0x4e: {  	_ =	shalt  }
0x4f: {  	_ =	shalt  }
0x50: {  	_ =	shalt  }
0x51: {  	_ =	shalt  }
0x52: {  	_ =	shalt  }
0x53: {  	_ =	shalt  }
0x54: {  	_ =	shalt  }
0x55: {  	_ =	shalt  }
0x56: {  	_ =	shalt  }
0x57: {  	_ =	shalt  }
0x58: {  	_ =	shalt  }
0x59: {  	_ =	shalt  }
0x5a: {  	_ =	shalt  }
0x5b: {  	_ =	shalt  }
0x5c: {  	_ =	shalt  }
0x5d: {  	_ =	shalt  }
0x5e: {  	_ =	shalt  }
0x5f: {  	_ =	shalt  }
0x60: {  	_ =	shalt  }
0x61: {  	_ =	shalt  }
0x62: {  	_ =	shalt  }
0x63: {  	_ =	shalt  }
0x64: {  	_ =	shalt  }
0x65: {  	_ =	shalt  }
0x66: {  	_ =	shalt  }
0x67: {  	_ =	shalt  }
0x68: {  	_ =	shalt  }
0x69: {  	_ =	shalt  }
0x6a: {  	_ =	shalt  }
0x6b: {  	_ =	shalt  }
0x6c: {  	_ =	shalt  }
0x6d: {  	_ =	shalt  }
0x6e: {  	_ =	shalt  }
0x6f: {  	_ =	shalt  }
0x70: {  	_ =	shalt  }
0x71: {  	_ =	shalt  }
0x72: {  	_ =	shalt  }
0x73: {  	_ =	shalt  }
0x74: {  	_ =	shalt  }
0x75: {  	_ =	shalt  }
0x76: {  	_ =	shalt  }
0x77: {  	_ =	shalt  }
0x78: {  	_ =	shalt  }
0x79: {  	_ =	shalt  }
0x7a: {  	_ =	shalt  }
0x7b: {  	_ =	shalt  }
0x7c: {  	_ =	shalt  }
0x7d: {  	_ =	shalt  }
0x7e: {  	_ =	shalt  }
0x7f: {  	_ =	shalt  }
0x80: {  	_ =	shalt  }
0x81: {  	_ =	shalt  }
0x82: {  	_ =	shalt  }
0x83: {  	_ =	shalt  }
0x84: {  	_ =	shalt  }
0x85: {  	_ =	shalt  }
0x86: {  	_ =	shalt  }
0x87: {  	_ =	shalt  }
.Lfunc_end0:
.L_simem_size_0:
called_computation_lowered:
.L_overlay_start_0:
0x88: {  	s2 =	sld [smem:$0x3FD9]  }
0x89: {  	s3 =	sld [smem:$0x3FFE];
	_ =	sdelay $0x1  }
0x8a: {  	s1 =	srdreg.scid  }
0x8b: {  	s0 =	sand.u32 $0x1, s1  }
0x8c: {  	s14 =	sshll.u32 s0, $0xA;
	s2 =	sadd.s32 s3, s2  }
0x8d: {  	s2 =	sadd.s32 s2, s14  }
0x8e: {  	[smem:$0x3FC5] =	sst s2  }
0x8f: {  	_ = 	snop  }
0x90: {  	s2 =	sld [smem:$0x3FD0];
	_ =	sdelay $0x1  }
0x91: {  	s15 =	sld [smem:$0x3FC9]  }
0x92: {  	s5 =	simm.s32 $0xA;
	s6 =	simm.s32 $0x10;
	s4 =	sld [smem:$0x3FC7]  }
0x93: {  	[smem:s6], [sflag:s5] =	dma.local [hbm:s2], $0x1  }
0x94: {  	_ =	swait.eq [sflag:s5], $0x1  }
0x95: {  	[sflag:s5] =	ssyncset.done $0x0  }
0x96: {  	s16 =	sld [smem:$0x10];
	[sflag:s5] =	ssyncadd.s32 $0xFFFFFFFF  }
0x97: {  	s17 =	sld [smem:$0x11];
	(tm) =	ssettm $0x1  }
0x98: {  	s18 =	sld [smem:$0x3FFB];
	_ =	sdelay $0x3  }
0x99: {  	_ =	strace s18  }
0x9a: {  	s6 =	sld [smem:$0x3FFC];
	_ =	sdelay $0x3  }
0x9b: {  	_ =	strace s6  }
0x9c: {  	s6 =	sld [smem:$0x3FFD];
	_ =	sdelay $0x3  }
0x9d: {  	_ =	strace s6  }
0x9e: {  	_ =	strace $0x8FFFFFFF  }
0x9f: {  	s19 =	sld [smem:$0x3FDB];
	_ =	sdelay $0x1  }
0xa0: {  	s7 =	simm.s32 $_scs_section_size  }
0xa1: {  	s8 =	simm.s32 $_size__tile_overlayer_lowered;
	s9 =	simm.s32 $_tile_overlayer_lowered  }
0xa2: {  	s22 =	simm.s32 $0x1BFF;
	s21 =	sshll.u32 s9, $0x1;
	s6 =	sadd.s32 s7, s19  }
0xa3: {  	s10 =	simm.s32 $0x0;
	s20 =	sshll.u32 s8, $0x1;
	s8 =	sadd.s32 s21, s6  }
0xa4: {  	[timem:s10], [sflag:s22] =	dma.local [hbm:s8], s20  }
0xa5: {  	_ =	swait.ge [sflag:s22], s20  }
0xa6: {  	s7 =	ssub.s32 $0x0, s20;
	[sflag:s22] =	ssyncset.done $0x0  }
0xa7: {  	[sflag:s22] =	ssyncadd.s32 s7;
	_ =	sdelay $0x1  }
0xa8: {  	s23 =	simm.s32 $0x1B8B  }
0xa9: {  	_ =	swait.ge [sflag:s23], $0x1  }
0xaa: {  	[sflag:s23] =	ssyncset.done $0x0  }
0xab: {  	s25 =	simm.s32 $0x1B8E;
	s24 =	sld [smem:$0x3FFE];
	[sflag:s23] =	ssyncadd.s32 $0xFFFFFFFF  }
0xac: {  	s26 =	simm.s32 $execute0_lowered;
	[smem:$0x3FD2] =	sst s25  }
0xad: {  	s8 =	sshll.u32 s26, $0x1;
	_ =	strace $0x80000046;
	[dreg:$0x1] =	wrdreg $0xFFFFFFFF  }
0xae: {  	s28 =	simm.s32 $_size_execute0_lowered;
	s6 =	sadd.s32 s6, s8;
	[dreg:$0x0] =	wrdreg $0x0  }
0xaf: {  	s8 =	sshll.u32 s28, $0x1;
	[dreg:$0x2] =	wrdreg s6  }
0xb0: {  	[dreg:$0x3] =	wrdreg s8  }
0xb1: {  	[dreg:$0x4] =	wrdreg $0xC0  }
0xb2: {  	_ =	task [dreg:s10], $0x5FFFF  }
0xb3: {  	[dreg:$0x1] =	wrdreg $0xFFFFFFFF  }
0xb4: {  	[dreg:$0x0] =	wrdreg $0x60  }
0xb5: {  	[dreg:$0x2] =	wrdreg s15  }
0xb6: {  	[dreg:$0x3] =	wrdreg s4  }
0xb7: {  	[dreg:$0x4] =	wrdreg s24  }
0xb8: {  	[dreg:$0x5] =	wrdreg s16  }
0xb9: {  	[dreg:$0x6] =	wrdreg s17  }
0xba: {  	[dreg:$0x7] =	wrdreg $0x9  }
0xbb: {  	_ =	task.clear_ibuf [dreg:s10], $0x8FFFF;
	_ =	strace $0x90000046  }
0xbc: {  	s29 =	simm.s32 $0x9;
	_ =	strace $0x80000048  }
0xbd: {  	_ =	swait.ge [sflag:s29], $0x1  }
0xbe: {  	[sflag:s29] =	ssyncadd.s32 $0xFFFFFFFF  }
0xbf: {  	_ =	strace $0x90000048  }
0xc0: {  	_ =	sfence  }
0xc1: {  	s30 =	sld [smem:$0x0];
	_ =	sdelay $0x2  }
0xc2: {  	s31 =	sshll.u32 s1, $0xD;
	s1 =	sshrl.u32 s1, $0x2  }
0xc3: {  	s3 =	sand.u32 $0x4000, s31;
	s1 =	sadd.s32 s1, s30  }
0xc4: {  	s0 =	sor.u32 s3, s0;
	s1 =	sshll.u32 s1, $0x11  }
0xc5: {  	s0 =	sor.u32 s1, s0  }
0xc6: {  	s0 =	sadd.s32 $0x8F2B, s0  }
0xc7: {  	[sflag:s0] =	ssyncadd.remote.s32 $0x1  }
0xc8: {  	_ =	sfence.sel $0xFFFF  }
0xc9: {  	[dreg:$0x0] =	wrdreg $0xFFFFFFFF;
	(pc) =	sbr.abs _section_cstart, $3  }
0xca: {  	[dreg:$0x1] =	wrdreg $0xFFFFFFFF  }
0xcb: {  	_ =	task.clear_ibuf [dreg:s10], $0x2FFFF;
	_ =	strace $0x9FFFFFFF  }
0xcc: {  	(tm) =	ssettm $0x7FFFFFFF  }
0xcd: {  	_ =	shalt  }
tec
execute0_lowered:
.L_overlay_start_1:
0x0: {  	(tag) =	ssettag $0x1  }
0x1: {  	s5 =	rddreg [dreg:$0x0]  }
0x2: {  	s6 =	rddreg [dreg:$0x1]  }
0x3: {  	s1 =	rddreg [dreg:$0x2]  }
0x4: {  	s8 =	rddreg [dreg:$0x3]  }
0x5: {  	s9 =	rddreg [dreg:$0x4]  }
0x6: {  	s0 =	rddreg [dreg:$0x5];
	s3 =	simm.s32 $0x0;
	s4 =	srdreg.scid  }
0x7: {  	s2 =	stileid.u32;
	[smem:$0x7FF] =	sst s3  }
0x8: {  	s10 =	sand.u32 $0x1, s4;
	s26 =	sand.u32 $0x1, s2;
	s13 =	sand.u32 $0xE, s2  }
0x9: {  	s31 =	sor.u32 $0x1, s2;
	_ =	strace $0x80000047;
	s4 =	sor.u32 s10, s2  }
0xa: {  	p1 =	seq.s32 s10, $0x1;
	s7 =	ssub.s32 $0x2, s10;
	s12 =	sshll.u32 s10, $0xC  }
0xb: {  	s10 =	sshll.u32 s10, $0x8;
	p0 =	seq.s32 s4, $0x0;
	s28 =	sshrl.u32 s7, $0x1  }
0xc: {  	s4 =	simm.s32 $0x2000;
	p0 =	por !p0, !p1;
	p1 =	seq.s32 s26, $0x1  }
0xd: {  	s9 =	sadd.s32 s9, s10;
	p0 =	por !p0, !p0;
	p2 =	por !p1, !p1  }
0xe: {  	v0 =	vimm.s32 $0xEFCDAB89;
	v1 =	vimm.s32 $0x67452301;
	s11 =	ssub.s32 s7, s28;
	s7 =	simm.s32 $0x1;
	p2 =	por @!p0 p1, p1  }
0xf: {  	v0 =	vunpack.c.l.s4.s8 v0;
	v1 =	vunpack.c.l.s4.s8 v1;
	s10 =	smax.u32 s11, $0x1;
	s11 =	simm.s32 $0x1000;
	s4 =	simm.s32 @!p2 $0x0  }
0x10: {  	s7 =	simm.s32 @!p2 $0x0;
	s14 =	sor.u32 s12, s4;
	s4 =	simm.s32 $0x1  }
0x11: {  	v2 =	vmov s13;
	v0 =	vunpack.c.0.s8.s32 v0;
	v1 =	vunpack.c.0.s8.s32 v1;
	s15 =	sor.u32 s7, s13;
	s7 =	simm.s32 $0x2000;
	s13 =	simm.s32 $0x3080  }
0x12: {  	s14 =	sshrl.u32 s14, $0x3;
	s29 =	sshll.u32 s15, $0xD;
	s30 =	sshll.u32 s15, $0x9  }
0x13: {  	v4 =	vlaneseq.u32;
	v3 =	vcombine.low v1, v0;
	s15 =	simm.s32 $0x0;
	s5 =	sadd.s32 s5, s14;
	s12 =	sor.u32 s12, s29  }
0x14: {  	vm0 =	vmmov $0xff;
	v4 =	vand.u32 $0x7, v4;
	v0 =	vbroadcast v2, $0x0;
	s6 =	sadd.s32 s6, s14;
	s9 =	sadd.s32 s30, s9;
	s12 =	sshrl.u32 s12, $0x3  }
0x15: {  	v1 =	vmov s31;
	v2 =	vand.u32 $0xF, v3;
	v3 =	vmul.u32 $0x2, v4;
	s14 =	simm.s32 $0x2;
	s8 =	sadd.s32 s8, s12;
	s12 =	simm.s32 $0x2080  }
.LBB2_1:
0x16: {  	[tilespmem:s7], [sflag:$0x1] =	stream.linear.gather [hbm4b:s1+s3], $0x80, $0x38;
	[tilespmem:$0x3880] =	vst v63  }
0x17: {  	_ = 	snop  }
0x18: {  	[tilespmem:s3], [sflag:$0x1] =	stream.linear.gather [hbm4b:s5+s3], $0x1000, $0x38;
	[tilespmem:$0x3880] =	vst v63  }
0x19: {  	_ = 	snop  }
0x1a: {  	[tilespmem:s11], [sflag:$0x1] =	stream.linear.gather [hbm4b:s6+s3], $0x1000, $0x38;
	[tilespmem:$0x3880] =	vst v63  }
0x1b: {  	_ =	swait.ge [sflag:s4], $0x80  }
0x1c: {  	[sflag:s4] =	ssyncset.done $0x0  }
0x1d: {  	[sflag:s4] =	ssyncadd.s32 $0xFFFFFF80  }
0x1e: {  	v5 =	vld.idx.msk [tilespmem:v0+s7+$0x0], $0xffff  }
0x1f: {  	v4 =	vld.idx.msk [tilespmem:v1+s7+$0x0], $0xffff;
	_ =	swait.ge [sflag:s4], $0x1000  }
0x20: {  	[sflag:s4] =	ssyncset.done $0x0  }
0x21: {  	[sflag:s4] =	ssyncadd.s32 $0xFFFFF000  }
0x22: {  	_ =	swait.ge [sflag:s4], $0x1000  }
0x23: {  	[sflag:s4] =	ssyncset.done $0x0  }
0x24: {  	s16 =	simm.s32 $0x80;
	[sflag:s4] =	ssyncadd.s32 $0xFFFFF000  }
0x25: {  	s17 =	simm.s32 $0x1080;
	v8 =	vld [tilespmem:s16+$0x30]  }
0x26: {  	v6 =	vld [tilespmem:s17+$0x70]  }
0x27: {  	v9 =	vld [tilespmem:s17+$0x50]  }
0x28: {  	v11 =	vld [tilespmem:s16+$0xFFFFFFF0]  }
0x29: {  	v12 =	vld [tilespmem:s16+$0x70]  }
0x2a: {  	v13 =	vld [tilespmem:s17+$0x40]  }
0x2b: {  	v16 =	vld [tilespmem:s16+$0xFFFFFFC0]  }
0x2c: {  	v17 =	vld [tilespmem:s16+$0x60]  }
0x2d: {  	v18 =	vld [tilespmem:s17+$0x60]  }
0x2e: {  	v14 =	vld [tilespmem:s17+$0x30]  }
0x2f: {  	v19 =	vld [tilespmem:s17+$0xFFFFFFE0]  }
0x30: {  	v15 =	vld [tilespmem:s16+$0x50]  }
0x31: {  	v25 =	vld [tilespmem:s17+$0x20]  }
0x32: {  	v21 =	vld [tilespmem:s17+$0xFFFFFFD0];
	vm1 =	veq.s32 v6, v4  }
0x33: {  	v22 =	vld [tilespmem:s16+$0x40];
	vm3 =	veq.s32 v6, v5;
	vm2 =	veq.s32 v18, v4;
	vm4 =	veq.s32 v14, v4  }
0x34: {  	v23 =	vld [tilespmem:s17+$0xFFFFFFF0];
	vm10 =	veq.s32 v9, v5;
	vm5 =	veq.s32 v13, v4;
	v16 =	vadd.f32 $0.0e+00, v16  }
0x35: {  	v10 =	vld [tilespmem:s16+$0x20];
	vm7 =	veq.s32 v13, v5;
	vm6 =	veq.s32 v19, v5;
	v27 =	vadd.f32 $0.0e+00, v11  }
0x36: {  	v20 =	vld [tilespmem:s16+$0xFFFFFFE0];
	vm11 =	veq.s32 v25, v5;
	v7 =	vnsel vm1, $0x0, v12;
	vm1 =	veq.s32 v14, v5  }
0x37: {  	v13 =	vld [tilespmem:s17+$0xFFFFFFB0];
	v6 =	vnsel vm2, $0x0, v17;
	v14 =	vnsel vm4, $0x0, v8;
	vm2 =	veq.s32 v9, v4  }
0x38: {  	v9 =	vld [tilespmem:s17+$0xFFFFFFA0];
	v26 =	vnsel vm10, $0x0, v15;
	vm4 =	veq.s32 v18, v5;
	v11 =	vnsel vm3, $0x0, v12  }
0x39: {  	v18 =	vld [tilespmem:s17+$0xFFFFFFC0];
	v12 =	vnsel vm5, $0x0, v22;
	vm5 =	veq.s32 v21, v5;
	vm3 =	veq.s32 v23, v5  }
0x3a: {  	v29 =	vnsel vm11, $0x0, v10;
	v24 =	vnsel vm1, $0x0, v8;
	vm1 =	veq.s32 v19, v4;
	v19 =	vld [tilespmem:s16+$0xFFFFFFB0]  }
0x3b: {  	v8 =	vadd.f32 $0.0e+00, v20;
	v20 =	vnsel vm7, $0x0, v22;
	v22 =	vld [tilespmem:s16+$0xFFFFFFA0];
	v28 =	vnsel vm3, $0x0, v27  }
0x3c: {  	vm10 =	veq.s32 v21, v4;
	vm3 =	veq.s32 v25, v4;
	v25 =	vld [tilespmem:s17+$0x10];
	v28 =	vadd.f32 v11, v28  }
0x3d: {  	v17 =	vnsel vm4, $0x0, v17;
	v15 =	vnsel vm2, $0x0, v15;
	v30 =	vnsel vm3, $0x0, v10  }
0x3e: {  	v11 =	vld [tilespmem:s16+$0xFFFFFFD0];
	vm13 =	veq.s32 v13, v5;
	vm3 =	veq.s32 v13, v4;
	v32 =	vperm.xlane v28, v2  }
0x3f: {  	v34 =	vld [tilespmem:s17+$0x0];
	vm12 =	veq.s32 v9, v4;
	vm8 =	veq.s32 v18, v5;
	vm9 =	veq.s32 v18, v4  }
0x40: {  	v18 =	vld [tilespmem:s17+$0xFFFFFF90];
	v21 =	vnsel vm8, $0x0, v16;
	v10 =	vnsel vm9, $0x0, v16;
	vm9 =	veq.s32 v9, v5  }
0x41: {  	v16 =	vld [tilespmem:s16+$0xFFFFFF90];
	v31 =	vadd.f32 $0.0e+00, v19;
	v19 =	vadd.f32 $0.0e+00, v22;
	vm11 =	veq.s32 v25, v5  }
0x42: {  	v22 =	vld [tilespmem:s16+$0x10];
	vm15 =	veq.s32 v25, v4;
	v32 =	vmax.f32 v28, v32;
	v10 =	vadd.f32 v12, v10  }
0x43: {  	v12 =	vld [tilespmem:s16+$0xFFFFFF80];
	v20 =	vadd.f32 v20, v21;
	v21 =	vadd.f32 $0.0e+00, v11;
	v13 =	vnsel vm13, $0x0, v31  }
0x44: {  	v9 =	vld [tilespmem:s17+$0xFFFFFF80];
	v33 =	vnsel vm12, $0x0, v19;
	v19 =	vnsel vm9, $0x0, v19;
	vm13 =	veq.s32 v34, v5  }
0x45: {  	v62 =	vnsel vm3, $0x0, v31;
	vm12 =	veq.s32 v18, v5;
	vm14 =	veq.s32 v18, v4;
	v18 =	vld [tilespmem:s16+$0x0]  }
0x46: {  	v24 =	vadd.f32 v24, v13;
	v25 =	vnsel vm10, $0x0, v21;
	v29 =	vadd.f32 v29, v19  }
0x47: {  	v21 =	vnsel vm5, $0x0, v21;
	v14 =	vadd.f32 v14, v62;
	v16 =	vadd.f32 $0.0e+00, v16  }
0x48: {  	v26 =	vadd.f32 v26, v21;
	v21 =	vperm.xlane v20, v2;
	v11 =	vadd.f32 $0.0e+00, v12  }
0x49: {  	v15 =	vadd.f32 v15, v25;
	v13 =	vnsel vm12, $0x0, v16;
	vm12 =	veq.s32 v9, v5  }
0x4a: {  	v35 =	vnsel vm11, $0x0, v22;
	v36 =	vnsel vm12, $0x0, v11;
	v37 =	vnsel vm13, $0x0, v18  }
0x4b: {  	v32 =	vperm.xlane v32, v3;
	v35 =	vadd.f32 v35, v13;
	v36 =	vadd.f32 v37, v36  }
0x4c: {  	v19 =	vperm.xlane v24, v2;
	v12 =	vnsel vm6, $0x0, v8;
	v21 =	vmax.f32 v20, v21  }
0x4d: {  	v58 =	vadd.f32 v17, v12;
	v12 =	vperm.xlane v35, v2;
	v17 =	vperm.xlane v36, v2  }
0x4e: {  	s18 =	simm.s32 $0x2100;
	v38 =	vmax.f32 v24, v19;
	v19 =	vperm.xlane v26, v2;
	v16 =	vnsel vm14, $0x0, v16  }
0x4f: {  	[tilespmem:s18+$0xFFFFFFF0] =	vst v28;
	v21 =	vperm.xlane v21, v3;
	v12 =	vmax.f32 v35, v12;
	v17 =	vmax.f32 v36, v17  }
0x50: {  	[tilespmem:s18+$0xFFFFFFC0] =	vst v20;
	vm14 =	veq.s32 v34, v4;
	v12 =	vperm.xlane v12, v3;
	v17 =	vperm.xlane v17, v3  }
0x51: {  	[tilespmem:s18+$0xFFFFFFB0] =	vst v24;
	v13 =	vadd.f32 v30, v33;
	v59 =	vperm.xlane v58, v2;
	v19 =	vmax.f32 v26, v19  }
0x52: {  	[tilespmem:s18+$0xFFFFFFA0] =	vst v29;
	v20 =	vnsel vm14, $0x0, v18;
	v61 =	vsel vm0, v17, v12;
	v12 =	vnsel vm15, $0x0, v22  }
0x53: {  	s19 =	sand.u32 $0x700, s3;
	[tilespmem:s18+$0xFFFFFFD0] =	vst v26;
	v60 =	vmax.f32 v58, v59;
	v17 =	vperm.xlane v29, v2;
	v12 =	vadd.f32 v12, v16  }
0x54: {  	s20 =	simm.s32 $0x80;
	s24 =	sand.u32 $0x40, s3;
	s21 =	simm.s32 $0x2200;
	[tilespmem:s18+$0xFFFFFFE0] =	vst v58;
	v19 =	vperm.xlane v19, v3;
	v28 =	vperm.xlane v60, v3;
	vm15 =	veq.s32 v23, v4  }
0x55: {  	s22 =	simm.s32 $0x0;
	s28 =	sor.u32 $0x3080, s19;
	s26 =	sor.u32 $0x10, s24;
	[tilespmem:s18+$0xFFFFFF90] =	vst v35;
	v16 =	vperm.xlane v13, v2;
	v18 =	vmax.f32 v29, v17;
	v63 =	vperm.xlane v12, v2  }
0x56: {  	s23 =	sor.u32 $0x30, s24;
	s25 =	sor.u32 $0x20, s24;
	s19 =	sor.u32 s24, s28;
	[tilespmem:s18+$0xFFFFFF80] =	vst v36;
	v23 =	vperm.xlane v38, v3;
	v17 =	vsel vm0, v28, v32;
	v24 =	vperm.xlane v18, v3  }
0x57: {  	s30 =	sor.u32 s26, s28;
	s29 =	sor.u32 s23, s28;
	[tilespmem:s19+$0x0] =	vst v61;
	s19 =	simm.s32 $0x0;
	v22 =	vmax.f32 v13, v16;
	v16 =	vnsel vm15, $0x0, v27;
	v18 =	vmax.f32 v12, v63  }
.LBB2_2:
0x58: {  	s22 =	sadd.s32 $0x40, s22  }
0x59: {  	v23 =	vsel vm0, v24, v23;
	v8 =	vnsel vm1, $0x0, v8;
	v18 =	vperm.xlane v18, v3;
	s17 =	sadd.s32 $0x100, s17;
	s16 =	sadd.s32 $0x100, s16;
	s31 =	smov.u32 s20  }
0x5a: {  	p0 =	sne.s32 s20, $0x780;
	s20 =	sadd.s32 $0x80, s20;
	v19 =	vsel vm0, v21, v19;
	s28 =	sor.u32 s25, s28;
	vm1 =	veq.s32 v9, v4;
	[tilespmem:s30+$0x0] =	vst v23;
	v9 =	vperm.xlane v14, v2  }
0x5b: {  	v21 =	vperm.xlane v15, v2;
	v11 =	vnsel vm1, $0x0, v11;
	[tilespmem:s28+$0x0] =	vst v19;
	v19 =	vperm.xlane v10, v2  }
0x5c: {  	v11 =	vadd.f32 v20, v11;
	[tilespmem:s29+$0x0] =	vst v17;
	v9 =	vmax.f32 v14, v9;
	v17 =	vperm.xlane v22, v3  }
0x5d: {  	[tilespmem:s18+$0x40] =	vst v10;
	v9 =	vperm.xlane v9, v3;
	v10 =	vmax.f32 v10, v19;
	v19 =	vmax.f32 v15, v21  }
0x5e: {  	v7 =	vadd.f32 v7, v16;
	[tilespmem:s18+$0x50] =	vst v15;
	v10 =	vperm.xlane v10, v3;
	v15 =	vperm.xlane v19, v3  }
0x5f: {  	v16 =	vperm.xlane v11, v2;
	[tilespmem:s18+$0x0] =	vst v11;
	v9 =	vsel vm0, v17, v9  }
0x60: {  	v6 =	vadd.f32 v6, v8;
	[tilespmem:s18+$0x70] =	vst v7;
	v8 =	vsel vm0, v10, v15;
	v10 =	vperm.xlane v7, v2  }
0x61: {  	v11 =	vmax.f32 v11, v16;
	[tilespmem:s18+$0x20] =	vst v13  }
0x62: {  	s28 =	sor.u32 $0x80, s19;
	s19 =	smov.u32 s31;
	v11 =	vperm.xlane v11, v3;
	v13 =	vperm.xlane v6, v2;
	[tilespmem:s18+$0x30] =	vst v14;
	v7 =	vmax.f32 v7, v10  }
0x63: {  	s28 =	sadd.s32 $0x3080, s28;
	[tilespmem:s18+$0x60] =	vst v6;
	v7 =	vperm.xlane v7, v3  }
0x64: {  	s24 =	sadd.s32 s24, s28;
	v10 =	vsel vm0, v11, v18;
	v6 =	vmax.f32 v6, v13;
	[tilespmem:s18+$0x10] =	vst v12;
	s18 =	smov.u32 s21  }
0x65: {  	v6 =	vperm.xlane v6, v3;
	[tilespmem:s24+$0x0] =	vst v10;
	s24 =	sadd.s32 s26, s28  }
0x66: {  	[tilespmem:s24+$0x0] =	vst v9;
	s24 =	sadd.s32 s25, s28  }
0x67: {  	s23 =	sadd.s32 s23, s28;
	v6 =	vsel vm0, v6, v7;
	[tilespmem:s24+$0x0] =	vst v8  }
0x68: {  	[tilespmem:s23+$0x0] =	vst v6  }
0x69: {  	v12 =	vld [tilespmem:s16+$0x10]  }
0x6a: {  	v8 =	vld [tilespmem:s16+$0x30]  }
0x6b: {  	v6 =	vld [tilespmem:s17+$0x70]  }
0x6c: {  	v10 =	vld [tilespmem:s17+$0x50]  }
0x6d: {  	v11 =	vld [tilespmem:s16+$0x20]  }
0x6e: {  	v13 =	vld [tilespmem:s16+$0xFFFFFFF0]  }
0x6f: {  	v19 =	vld [tilespmem:s16+$0x70]  }
0x70: {  	v18 =	vld [tilespmem:s17+$0x40]  }
0x71: {  	v14 =	vld [tilespmem:s16+$0x0]  }
0x72: {  	v20 =	vld [tilespmem:s16+$0xFFFFFFC0]  }
0x73: {  	v21 =	vld [tilespmem:s16+$0x60]  }
0x74: {  	v22 =	vld [tilespmem:s17+$0xFFFFFFE0]  }
0x75: {  	v23 =	vld [tilespmem:s17+$0x60]  }
0x76: {  	v16 =	vld [tilespmem:s17+$0x30]  }
0x77: {  	v15 =	vld [tilespmem:s16+$0x50]  }
0x78: {  	v9 =	vld [tilespmem:s17+$0xFFFFFF80]  }
0x79: {  	vm1 =	veq.s32 v6, v4;
	v24 =	vld [tilespmem:s16+$0xFFFFFFE0]  }
0x7a: {  	vm3 =	veq.s32 v6, v5;
	v7 =	vnsel vm1, $0x0, v19;
	v25 =	vld [tilespmem:s17+$0xFFFFFFD0];
	vm2 =	veq.s32 v23, v4  }
0x7b: {  	v26 =	vld [tilespmem:s16+$0x40];
	vm1 =	veq.s32 v16, v5;
	vm4 =	veq.s32 v16, v4;
	v6 =	vnsel vm2, $0x0, v21  }
0x7c: {  	vm2 =	veq.s32 v10, v4;
	v17 =	vld [tilespmem:s17+$0xFFFFFFF0];
	v27 =	vnsel vm1, $0x0, v8;
	v16 =	vnsel vm4, $0x0, v8  }
0x7d: {  	vm5 =	veq.s32 v18, v4;
	vm4 =	veq.s32 v10, v5;
	vm1 =	veq.s32 v22, v4;
	v28 =	vld [tilespmem:s17+$0x20]  }
0x7e: {  	v29 =	vnsel vm4, $0x0, v15;
	vm4 =	veq.s32 v23, v5;
	v10 =	vld [tilespmem:s17+$0xFFFFFFA0];
	v8 =	vadd.f32 $0.0e+00, v24  }
0x7f: {  	vm6 =	veq.s32 v18, v5;
	v20 =	vadd.f32 $0.0e+00, v20;
	vm7 =	veq.s32 v22, v5;
	v23 =	vld [tilespmem:s17+$0xFFFFFFC0]  }
0x80: {  	v18 =	vadd.f32 $0.0e+00, v13;
	v13 =	vnsel vm3, $0x0, v19;
	v22 =	vld [tilespmem:s17+$0xFFFFFFB0];
	v19 =	vnsel vm5, $0x0, v26  }
0x81: {  	v26 =	vnsel vm6, $0x0, v26;
	vm6 =	veq.s32 v25, v5;
	v24 =	vld [tilespmem:s16+$0xFFFFFFB0];
	vm3 =	veq.s32 v17, v5  }
0x82: {  	v30 =	vld [tilespmem:s16+$0xFFFFFFA0];
	vm5 =	veq.s32 v28, v5;
	v31 =	vnsel vm3, $0x0, v18;
	vm3 =	veq.s32 v28, v4  }
0x83: {  	v28 =	vld [tilespmem:s17+$0x10];
	v32 =	vnsel vm5, $0x0, v11;
	v13 =	vadd.f32 v13, v31;
	vm5 =	veq.s32 v10, v4  }
0x84: {  	vm10 =	veq.s32 v25, v4;
	v31 =	vld [tilespmem:s16+$0xFFFFFFD0];
	vm8 =	veq.s32 v23, v5;
	vm9 =	veq.s32 v23, v4  }
0x85: {  	v33 =	vnsel vm3, $0x0, v11;
	v23 =	vld [tilespmem:s17+$0xFFFFFF90];
	v25 =	vnsel vm8, $0x0, v20;
	v11 =	vnsel vm9, $0x0, v20  }
0x86: {  	vm9 =	veq.s32 v10, v5;
	v20 =	vld [tilespmem:s16+$0xFFFFFF90];
	v24 =	vadd.f32 $0.0e+00, v24;
	v10 =	vadd.f32 v19, v11  }
0x87: {  	vm8 =	veq.s32 v22, v5;
	vm3 =	veq.s32 v22, v4;
	v11 =	vld [tilespmem:s16+$0xFFFFFF80];
	v19 =	vadd.f32 $0.0e+00, v30  }
0x88: {  	v34 =	vperm.xlane v13, v2;
	v22 =	vld [tilespmem:s17+$0x0];
	vm11 =	veq.s32 v28, v5;
	v30 =	vnsel vm8, $0x0, v24  }
0x89: {  	v25 =	vadd.f32 v26, v25;
	v26 =	vadd.f32 $0.0e+00, v31;
	[tilespmem:s21+$0xFFFFFFF0] =	vst v13;
	v31 =	vnsel vm5, $0x0, v19  }
0x8a: {  	v27 =	vadd.f32 v27, v30;
	vm12 =	veq.s32 v23, v5;
	vm8 =	veq.s32 v23, v4  }
0x8b: {  	vm5 =	veq.s32 v28, v4;
	v20 =	vadd.f32 $0.0e+00, v20;
	[tilespmem:s21+$0xFFFFFFC0] =	vst v25;
	v28 =	vnsel vm10, $0x0, v26  }
0x8c: {  	v30 =	vmax.f32 v13, v34;
	v23 =	vnsel vm7, $0x0, v8;
	v11 =	vadd.f32 $0.0e+00, v11;
	[tilespmem:s21+$0xFFFFFFB0] =	vst v27  }
0x8d: {  	v21 =	vnsel vm4, $0x0, v21;
	v19 =	vnsel vm9, $0x0, v19;
	v13 =	vnsel vm12, $0x0, v20  }
0x8e: {  	vm4 =	veq.s32 v9, v5;
	v32 =	vadd.f32 v32, v19;
	v19 =	vperm.xlane v27, v2  }
0x8f: {  	v34 =	vnsel vm11, $0x0, v12;
	v26 =	vnsel vm6, $0x0, v26;
	vm7 =	veq.s32 v22, v5  }
0x90: {  	v35 =	vnsel vm4, $0x0, v11;
	v36 =	vnsel vm7, $0x0, v14;
	v34 =	vadd.f32 v34, v13;
	[tilespmem:s21+$0xFFFFFFA0] =	vst v32  }
0x91: {  	v26 =	vadd.f32 v29, v26;
	v29 =	vperm.xlane v25, v2;
	v35 =	vadd.f32 v36, v35  }
0x92: {  	v21 =	vadd.f32 v21, v23;
	v27 =	vmax.f32 v27, v19;
	v23 =	vperm.xlane v34, v2;
	[tilespmem:s21+$0xFFFFFF90] =	vst v34  }
0x93: {  	v13 =	vadd.f32 v33, v31;
	v36 =	vperm.xlane v26, v2;
	v19 =	vperm.xlane v35, v2;
	[tilespmem:s21+$0xFFFFFF80] =	vst v35  }
0x94: {  	v25 =	vmax.f32 v25, v29;
	v29 =	vperm.xlane v21, v2;
	v23 =	vmax.f32 v34, v23;
	[tilespmem:s21+$0xFFFFFFE0] =	vst v21  }
0x95: {  	v30 =	vperm.xlane v30, v3;
	v19 =	vmax.f32 v35, v19;
	v23 =	vperm.xlane v23, v3;
	[tilespmem:s21+$0xFFFFFFD0] =	vst v26  }
0x96: {  	s23 =	sand.u32 $0x700, s19;
	v31 =	vperm.xlane v19, v3;
	v19 =	vmax.f32 v26, v36;
	v21 =	vmax.f32 v21, v29  }
0x97: {  	s24 =	sand.u32 $0x40, s22;
	s28 =	sor.u32 $0x3080, s23;
	v29 =	vnsel vm8, $0x0, v20;
	v19 =	vperm.xlane v19, v3;
	v26 =	vperm.xlane v21, v3  }
0x98: {  	s26 =	sor.u32 $0x10, s24;
	s25 =	sor.u32 $0x20, s24;
	s23 =	sor.u32 s24, s28;
	vm4 =	veq.s32 v22, v4;
	v21 =	vperm.xlane v25, v3;
	v20 =	vsel vm0, v31, v23  }
0x99: {  	s30 =	sor.u32 s26, s28;
	v12 =	vnsel vm5, $0x0, v12;
	v22 =	vperm.xlane v32, v2;
	[tilespmem:s23+$0x0] =	vst v20;
	s23 =	sor.u32 $0x30, s24;
	v20 =	vnsel vm4, $0x0, v14  }
.Ltmp0:
0x9a: {  	v12 =	vadd.f32 v12, v29;
	vm4 =	veq.s32 v17, v4;
	v14 =	vperm.xlane v13, v2;
	s29 =	sor.u32 s23, s28;
	(pc) =	sbr.rel @p0 .LBB2_2-.Ltmp0, $4  }
0x9b: {  	v15 =	vnsel vm2, $0x0, v15;
	v22 =	vmax.f32 v32, v22;
	v17 =	vsel vm0, v26, v30  }
0x9c: {  	v25 =	vnsel vm3, $0x0, v24;
	v23 =	vperm.xlane v27, v3;
	v26 =	vperm.xlane v12, v2  }
0x9d: {  	v15 =	vadd.f32 v15, v28;
	v24 =	vperm.xlane v22, v3;
	v22 =	vmax.f32 v13, v14  }
0x9e: {  	s21 =	sadd.s32 $0x100, s21;
	v14 =	vadd.f32 v16, v25;
	v16 =	vnsel vm4, $0x0, v18;
	v18 =	vmax.f32 v12, v26  }
0x9f: {  	v5 =	vsel vm0, v24, v23  }
0xa0: {  	s16 =	sor.u32 s25, s28;
	[tilespmem:s30+$0x0] =	vst v5;
	v5 =	vsel vm0, v21, v19  }
0xa1: {  	vm2 =	veq.s32 v9, v4;
	[tilespmem:s16+$0x0] =	vst v5  }
0xa2: {  	v4 =	vnsel vm2, $0x0, v11;
	[tilespmem:s29+$0x0] =	vst v17  }
0xa3: {  	v55 =	vperm.xlane v18, v3;
	v56 =	vperm.xlane v10, v2;
	v4 =	vadd.f32 v20, v4;
	[tilespmem:s18+$0x40] =	vst v10  }
0xa4: {  	v7 =	vadd.f32 v7, v16;
	v57 =	vperm.xlane v15, v2;
	v59 =	vperm.xlane v22, v3;
	[tilespmem:s18+$0x50] =	vst v15  }
0xa5: {  	v54 =	vperm.xlane v14, v2;
	v5 =	vnsel vm1, $0x0, v8;
	[tilespmem:s18+$0x0] =	vst v4;
	v58 =	vperm.xlane v4, v2  }
0xa6: {  	v60 =	vmax.f32 v10, v56;
	v61 =	vperm.xlane v7, v2;
	v5 =	vadd.f32 v6, v5;
	[tilespmem:s18+$0x70] =	vst v7  }
0xa7: {  	v62 =	vmax.f32 v15, v57;
	v6 =	vperm.xlane v60, v3;
	[tilespmem:s18+$0x20] =	vst v13;
	v4 =	vmax.f32 v4, v58  }
0xa8: {  	v8 =	vmax.f32 v14, v54;
	s29 =	sor.u32 $0x80, s19;
	[tilespmem:s18+$0x30] =	vst v14;
	v63 =	vperm.xlane v5, v2;
	v4 =	vperm.xlane v4, v3  }
0xa9: {  	v11 =	vperm.xlane v62, v3;
	v8 =	vperm.xlane v8, v3;
	s16 =	sadd.s32 $0x3080, s29;
	[tilespmem:s18+$0x10] =	vst v12  }
0xaa: {  	v7 =	vmax.f32 v7, v61;
	[tilespmem:s18+$0x60] =	vst v5;
	s17 =	sadd.s32 s24, s16;
	v5 =	vmax.f32 v5, v63;
	v4 =	vsel vm0, v4, v55  }
0xab: {  	v7 =	vperm.xlane v7, v3;
	s30 =	sadd.s32 s26, s16;
	v8 =	vsel vm0, v59, v8;
	[tilespmem:s17+$0x0] =	vst v4;
	v4 =	vperm.xlane v5, v3  }
0xac: {  	s31 =	sadd.s32 s25, s16;
	v5 =	vsel vm0, v6, v11;
	[tilespmem:s30+$0x0] =	vst v8  }
0xad: {  	s16 =	sadd.s32 s23, s16;
	[tilespmem:s31+$0x0] =	vst v5;
	v4 =	vsel vm0, v4, v7  }
0xae: {  	[tilespmem:s16+$0x0] =	vst v4  }
0xaf: {  	[hbm4b:s8+s3] =	stream.linear.scatter [tilespmem:s12], [sflag:$0x2], $0x1000, $0x38;
	[tilespmem:$0x3880] =	vst v63  }
0xb0: {  	s15 =	sadd.s32 $0x1, s15  }
0xb1: {  	[hbm4b:s9+s3] =	stream.linear.scatter [tilespmem:s13], [sflag:$0x2], $0x800, $0x38;
	[tilespmem:$0x3880] =	vst v63  }
0xb2: {  	p0 =	sne.s32 s15, s10;
	_ =	swait.ge [sflag:s14], $0x1000  }
.Ltmp1:
0xb3: {  	[sflag:s14] =	ssyncset.done $0x0;
	(pc) =	sbr.rel @p0 .LBB2_1-.Ltmp1, $4  }
0xb4: {  	[sflag:s14] =	ssyncadd.s32 $0xFFFFF000  }
0xb5: {  	_ =	swait.ge [sflag:s14], $0x800  }
0xb6: {  	[sflag:s14] =	ssyncset.done $0x0  }
0xb7: {  	[sflag:s14] =	ssyncadd.s32 $0xFFFFF800  }
0xb8: {  	_ =	sfence.sel $0x180000  }
0xb9: {  	[bflag:$0x0] =	sbarrier.arrive $0xFFFF  }
0xba: {  	p0 =	sne.s32 s2, $0x0;
	_ =	strace $0x90000047  }
0xbb: {  	s0 =	sadd.s32 @!p0 $0x100000, s0;
	[bflag:$0x2] =	sbarrier.arrive $0xFFFF  }
0xbc: {  	[sflag:s0] =	ssyncadd.tile.s32 @!p0 $0x1;
	_ =	shalt  }
.Lfunc_end2:
_tile_overlayer_lowered:
.L_overlay_start_2:
0xbd: {  	(tag) =	ssettag $0x2  }
0xbe: {  	s0 =	rddreg [dreg:$0x0];
	s2 =	stileid.u32  }
0xbf: {  	s1 =	rddreg [dreg:$0x1];
	p0 =	sne.s32 s2, $0x0  }
0xc0: {  	s3 =	rddreg [dreg:$0x2];
	[bflag:$0x3] =	sbarrier.arrive $0xFFFF;
	s2 =	simm.s32 @!p0 $0x1C03  }
0xc1: {  	[timem:s3], [sflag:s2] =	dma.local @!p0 [hbm:s0], s1  }
0xc2: {  	s0 =	simm.s32 @!p0 $0x3  }
0xc3: {  	_ =	swait.ge @!p0 [sflag:s0], s1  }
0xc4: {  	s1 =	ssub.s32 @!p0 $0x0, s1;
	[sflag:s0] =	ssyncset.done @!p0 $0x0  }
0xc5: {  	[sflag:s0] =	ssyncadd.s32 @!p0 s1  }
0xc6: {  	[bflag:$0x3] =	sbarrier.arrive $0xFFFF  }
0xc7: {  	_ =	shalt  }

</sc_bundles>
